<compile_context>
chip_gen: v7x
topology: tpu7x:2x2x1
jax: 0.10.2.dev20260603
libtpu: 0.0.44.dev20260713+nightly
codegen_flags: <defaults>
</compile_context>

<pallas_src>
import functools

import jax
import jax.numpy as jnp
from jax import lax
from jax.experimental import pallas as pl
from jax.experimental.pallas import tpu as pltpu
from jax.experimental.pallas import tpu_sc as plsc

_NC = 2
_NS = 16
_NW = _NC * _NS

_D = 128
_WIDE = 144
_IB = 128
_FIRE = 4
_FIRE_S = 2


def _silu(x):
    return x / (1.0 + jnp.exp(-x))


def _k1_body(nf_ref, coord_ref, wa_ref, wb_ref, be1_ref, ta_ref, tb_ref):
    nf = nf_ref[...]
    cd = coord_ref[...]
    bn = nf.shape[0]
    zpad = jnp.zeros((bn, _WIDE - _D - 3), jnp.float32)
    a = jnp.dot(nf, wa_ref[...], preferred_element_type=jnp.float32) + be1_ref[...]
    b = jnp.dot(nf, wb_ref[...], preferred_element_type=jnp.float32)
    ta_ref[...] = jnp.concatenate([a, cd, zpad], axis=1)
    tb_ref[...] = jnp.concatenate([b, -cd, zpad], axis=1)


def _make_tables(node_feat, coord, W_e1a, W_e1b, b_e1, bn=400):
    n = node_feat.shape[0]
    grid = n // bn
    return pl.pallas_call(
        _k1_body,
        grid=(grid,),
        in_specs=[
            pl.BlockSpec((bn, _D), lambda i: (i, 0)),
            pl.BlockSpec((bn, 3), lambda i: (i, 0)),
            pl.BlockSpec((_D, _D), lambda i: (0, 0)),
            pl.BlockSpec((_D, _D), lambda i: (0, 0)),
            pl.BlockSpec((1, _D), lambda i: (0, 0)),
        ],
        out_specs=[
            pl.BlockSpec((bn, _WIDE), lambda i: (i, 0)),
            pl.BlockSpec((bn, _WIDE), lambda i: (i, 0)),
        ],
        out_shape=[
            jax.ShapeDtypeStruct((n, _WIDE), jnp.float32),
            jax.ShapeDtypeStruct((n, _WIDE), jnp.float32),
        ],
    )(node_feat, coord, W_e1a, W_e1b, b_e1)


def _gather_body(bpw, ta_ref, tb_ref, row_ref, col_ref, out_ref,
                 rbuf, cbuf, sbuf, gsem):
    w = lax.axis_index("s") * _NC + lax.axis_index("c")
    base = w * bpw
    pltpu.sync_copy(row_ref.at[pl.ds(base, bpw)], rbuf)
    pltpu.sync_copy(col_ref.at[pl.ds(base, bpw)], cbuf)

    def chunk(q, carry):
        blk0 = q * _FIRE
        descs = [
            pltpu.async_copy(ta_ref.at[rbuf.at[blk0 + j]],
                             sbuf.at[pl.ds(j * _IB, _IB)], gsem)
            for j in range(_FIRE)
        ]
        for d in descs:
            d.wait()
        descs = [
            pltpu.async_copy(tb_ref.at[cbuf.at[blk0 + j]],
                             sbuf.at[pl.ds(j * _IB, _IB)], gsem, add=True)
            for j in range(_FIRE)
        ]
        for d in descs:
            d.wait()
        pltpu.sync_copy(sbuf,
                        out_ref.at[pl.ds((base + blk0) * _IB, _FIRE * _IB)])
        return carry

    lax.fori_loop(0, bpw // _FIRE, chunk, 0)


def _sc_gather(ta, tb, row2d, col2d):
    nblk = row2d.shape[0]
    bpw = nblk // _NW
    e_pad = nblk * _IB
    wid = ta.shape[1]
    mesh = plsc.VectorSubcoreMesh(core_axis_name="c", subcore_axis_name="s")
    return pl.kernel(
        functools.partial(_gather_body, bpw),
        out_type=jax.ShapeDtypeStruct((e_pad, wid), ta.dtype),
        mesh=mesh,
        compiler_params=pltpu.CompilerParams(use_tc_tiling_on_sc=False),
        scratch_types=[
            pltpu.VMEM((bpw, _IB), jnp.int32),
            pltpu.VMEM((bpw, _IB), jnp.int32),
            pltpu.VMEM((_FIRE * _IB, wid), ta.dtype),
            pltpu.SemaphoreType.DMA,
        ],
    )(ta, tb, row2d, col2d)


def _k2_body(sp_ref, wr_ref, we2_ref, be2_ref, wc1_ref, bc1_ref, wc2_ref,
             out_ref):
    sp = sp_ref[...].astype(jnp.float32)
    bn = sp.shape[0]
    x = sp[:, :_D]
    cd = sp[:, _D:_D + 3]
    r = jnp.sum(cd * cd, axis=1, keepdims=True)
    pre = x + r * wr_ref[...]
    h1 = _silu(pre)
    m = _silu(jnp.dot(h1, we2_ref[...], preferred_element_type=jnp.float32)
              + be2_ref[...])
    g1 = _silu(jnp.dot(m, wc1_ref[...], preferred_element_type=jnp.float32)
               + bc1_ref[...])
    gate = jnp.dot(g1, wc2_ref[...], preferred_element_type=jnp.float32)
    trans = cd * gate
    ones = jnp.ones((bn, 1), jnp.float32)
    zpad = jnp.zeros((bn, _WIDE - _D - 4), jnp.float32)
    out_ref[...] = jnp.concatenate([m, trans, ones, zpad], axis=1)


def _edge_mlp(sp, w_r, W_e2, b_e2, W_c1, b_c1, W_c2, bn=2048):
    e_pad = sp.shape[0]
    grid = e_pad // bn
    wid = sp.shape[1]
    return pl.pallas_call(
        _k2_body,
        grid=(grid,),
        in_specs=[
            pl.BlockSpec((bn, wid), lambda i: (i, 0)),
            pl.BlockSpec((1, _D), lambda i: (0, 0)),
            pl.BlockSpec((_D, _D), lambda i: (0, 0)),
            pl.BlockSpec((1, _D), lambda i: (0, 0)),
            pl.BlockSpec((_D, _D), lambda i: (0, 0)),
            pl.BlockSpec((1, _D), lambda i: (0, 0)),
            pl.BlockSpec((_D, 1), lambda i: (0, 0)),
        ],
        out_specs=pl.BlockSpec((bn, _WIDE), lambda i: (i, 0)),
        out_shape=jax.ShapeDtypeStruct((e_pad, _WIDE), jnp.float32),
    )(sp, w_r, W_e2, b_e2, W_c1, b_c1, W_c2)


def _scatter_body(bpw, rows_per_tile, mt_ref, row_ref, zeros_ref, out_ref,
                  idx, mtv, acc, ssem):
    c = lax.axis_index("c")
    s = lax.axis_index("s")
    w = s * _NC + c
    t0 = s * rows_per_tile
    pltpu.sync_copy(zeros_ref.at[pl.ds(t0, rows_per_tile)],
                    acc.at[pl.ds(t0, rows_per_tile)])
    plsc.subcore_barrier()

    def chunk(q, carry):
        blk0 = w * bpw + q * _FIRE_S
        pltpu.sync_copy(row_ref.at[pl.ds(blk0, _FIRE_S)], idx)
        pltpu.sync_copy(mt_ref.at[pl.ds(blk0 * _IB, _FIRE_S * _IB)], mtv)
        descs = [
            pltpu.async_copy(mtv.at[pl.ds(j * _IB, _IB)],
                             acc.at[idx.at[j]], ssem, add=True)
            for j in range(_FIRE_S)
        ]
        for d in descs:
            d.wait()
        return carry

    lax.fori_loop(0, bpw // _FIRE_S, chunk, 0)
    plsc.subcore_barrier()
    pltpu.sync_copy(acc.at[pl.ds(t0, rows_per_tile)],
                    out_ref.at[c, pl.ds(t0, rows_per_tile)])


def _sc_scatter(mt, row2d, zeros_pad):
    nblk = row2d.shape[0]
    bpw = nblk // _NW
    n_pad = zeros_pad.shape[0]
    rows_per_tile = n_pad // _NS
    mesh = plsc.VectorSubcoreMesh(core_axis_name="c", subcore_axis_name="s")
    return pl.kernel(
        functools.partial(_scatter_body, bpw, rows_per_tile),
        out_type=jax.ShapeDtypeStruct((_NC, n_pad, _WIDE), jnp.float32),
        mesh=mesh,
        compiler_params=pltpu.CompilerParams(use_tc_tiling_on_sc=False),
        scratch_types=[
            pltpu.VMEM((_FIRE_S, _IB), jnp.int32),
            pltpu.VMEM((_FIRE_S * _IB, _WIDE), jnp.float32),
            pltpu.VMEM_SHARED((n_pad, _WIDE), jnp.float32),
            pltpu.SemaphoreType.DMA,
        ],
    )(mt, row2d, zeros_pad)


def _k5_body(nf_ref, coord_ref, a0_ref, a1_ref, a2_ref, a3_ref,
             wn1a_ref, wn1b_ref, bn1_ref,
             wn2_ref, bn2_ref, node_out_ref, coord_out_ref):
    nf = nf_ref[...]
    a = (a0_ref[...] + a1_ref[...]) + (a2_ref[...] + a3_ref[...])
    aggh = a[:, :_D]
    aggc = a[:, _D:_D + 3]
    cnt = a[:, _D + 3:_D + 4]
    h1 = _silu(jnp.dot(nf, wn1a_ref[...], preferred_element_type=jnp.float32)
               + jnp.dot(aggh, wn1b_ref[...],
                         preferred_element_type=jnp.float32)
               + bn1_ref[...])
    h2 = jnp.dot(h1, wn2_ref[...], preferred_element_type=jnp.float32) \
        + bn2_ref[...]
    node_out_ref[...] = nf + h2
    coord_out_ref[...] = coord_ref[...] + aggc / jnp.maximum(cnt, 1.0)


def _node_mlp(node_feat, coord, a0, a1, a2, a3, W_n1a, W_n1b, b_n1, W_n2,
              b_n2, bn=400):
    n = node_feat.shape[0]
    grid = n // bn
    return pl.pallas_call(
        _k5_body,
        grid=(grid,),
        in_specs=[
            pl.BlockSpec((bn, _D), lambda i: (i, 0)),
            pl.BlockSpec((bn, 3), lambda i: (i, 0)),
            pl.BlockSpec((bn, _WIDE), lambda i: (i, 0)),
            pl.BlockSpec((bn, _WIDE), lambda i: (i, 0)),
            pl.BlockSpec((bn, _WIDE), lambda i: (i, 0)),
            pl.BlockSpec((bn, _WIDE), lambda i: (i, 0)),
            pl.BlockSpec((_D, _D), lambda i: (0, 0)),
            pl.BlockSpec((_D, _D), lambda i: (0, 0)),
            pl.BlockSpec((1, _D), lambda i: (0, 0)),
            pl.BlockSpec((_D, _D), lambda i: (0, 0)),
            pl.BlockSpec((1, _D), lambda i: (0, 0)),
        ],
        out_specs=[
            pl.BlockSpec((bn, _D), lambda i: (i, 0)),
            pl.BlockSpec((bn, 3), lambda i: (i, 0)),
        ],
        out_shape=[
            jax.ShapeDtypeStruct((n, _D), jnp.float32),
            jax.ShapeDtypeStruct((n, 3), jnp.float32),
        ],
    )(node_feat, coord, a0, a1, a2, a3, W_n1a, W_n1b, b_n1, W_n2, b_n2)


def kernel(coord, node_feat, edge_index, W_e1, b_e1, W_e2, b_e2, W_c1, b_c1,
           W_c2, W_n1, b_n1, W_n2, b_n2):
    n = coord.shape[0]
    e = edge_index.shape[1]

    blk_unit = _NW * _FIRE * _IB
    e_pad = ((e + blk_unit - 1) // blk_unit) * blk_unit
    n_pad = ((n + _NS - 1) // _NS + 15) // 16 * 16 * _NS

    row = edge_index[0]
    col = edge_index[1]
    pad = jnp.full((e_pad - e,), n, jnp.int32)
    row2d = jnp.concatenate([row, pad]).reshape(e_pad // _IB, _IB)
    col2d = jnp.concatenate([col, pad]).reshape(e_pad // _IB, _IB)

    W_e1a = W_e1[:_D]
    W_e1b = W_e1[_D:2 * _D]
    w_r = W_e1[2 * _D:2 * _D + 1]
    b_e1r = b_e1.reshape(1, _D)

    ta, tb = _make_tables(node_feat, coord, W_e1a, W_e1b, b_e1r)
    rpad = ((0, n_pad - n), (0, 0))
    ta = jnp.pad(ta, rpad)
    tb = jnp.pad(tb, rpad)
    ta2 = jnp.concatenate([ta, ta])
    tb2 = jnp.concatenate([tb, tb])
    nblk = e_pad // _IB
    h = nblk // 2
    bpw_h = h // _NW
    core_off = ((jnp.arange(h, dtype=jnp.int32)[:, None] // bpw_h) % _NC) \
        * n_pad

    zeros_pad = jnp.zeros((n_pad, _WIDE), jnp.float32)
    halves = []
    for lo, hi in ((0, h), (h, nblk)):
        sp = _sc_gather(ta2, tb2, row2d[lo:hi] + core_off,
                        col2d[lo:hi] + core_off)
        mt = _edge_mlp(sp, w_r, W_e2, b_e2.reshape(1, _D), W_c1,
                       b_c1.reshape(1, _D), W_c2)
        halves.append(_sc_scatter(mt, row2d[lo:hi], zeros_pad))
    ag, ag2 = halves

    node_out, coord_out = _node_mlp(
        node_feat, coord, ag[0, :n], ag[1, :n], ag2[0, :n], ag2[1, :n],
        W_n1[:_D], W_n1[_D:], b_n1.reshape(1, _D), W_n2,
        b_n2.reshape(1, _D))
    return node_out, coord_out

# --- scband reference (transcript-rebuilt; emitter-appended) ---
"""Pipeline reference for scband-egc-30940944401178 (READ-ONLY COPY).

The authoritative reference and input builder live on the scoring server;
editing this copy changes nothing except your own understanding.
"""

import jax, jax.numpy as jnp
import numpy as np

def _silu(x):
    return x * jax.nn.sigmoid(x)

def setup_inputs(seed: int = 0):
    key = jax.random.key(seed)
    ks = jax.random.split(key, 16)
    N, E, D, M = 10000, 640000, 128, 128
    coord = jax.random.normal(ks[0], (N, 3), dtype=jnp.float32)
    node_feat = jax.random.normal(ks[1], (N, D), dtype=jnp.float32)
    edge_index = jax.random.randint(ks[2], (2, E), 0, N, dtype=jnp.int32)
    def lin(k, fi, fo):
        return jax.random.normal(k, (fi, fo), dtype=jnp.float32) / np.sqrt(fi)
    W_e1 = lin(ks[3], 2 * D + 1, M); b_e1 = jnp.zeros((M,), jnp.float32)
    W_e2 = lin(ks[4], M, M); b_e2 = jnp.zeros((M,), jnp.float32)
    W_c1 = lin(ks[5], M, M); b_c1 = jnp.zeros((M,), jnp.float32)
    W_c2 = lin(ks[6], M, 1) * 0.01
    W_n1 = lin(ks[7], M + D, M); b_n1 = jnp.zeros((M,), jnp.float32)
    W_n2 = lin(ks[8], M, D); b_n2 = jnp.zeros((D,), jnp.float32)
    return {"coord": coord, "node_feat": node_feat, "edge_index": edge_index,
            "W_e1": W_e1, "b_e1": b_e1, "W_e2": W_e2, "b_e2": b_e2,
            "W_c1": W_c1, "b_c1": b_c1, "W_c2": W_c2,
            "W_n1": W_n1, "b_n1": b_n1, "W_n2": W_n2, "b_n2": b_n2}

def reference(coord, node_feat, edge_index, W_e1, b_e1, W_e2, b_e2, W_c1, b_c1, W_c2, W_n1, b_n1, W_n2, b_n2):
    N = coord.shape[0]
    row = edge_index[0]
    col = edge_index[1]
    # coord2radial (sparse, normalize=False)
    coord_diff = coord[row] - coord[col]
    coord_radial = jnp.sum(coord_diff * coord_diff, axis=1, keepdims=True)
    # edge_model_sparse (ffr=False, no edge_attr, no edge_weight, no attention)
    e_in = jnp.concatenate([node_feat[row], node_feat[col], coord_radial], axis=1)
    m = _silu(e_in @ W_e1 + b_e1)
    m = _silu(m @ W_e2 + b_e2)
    # coord_model_sparse: coord_mlp gate, aggregated mean over source index
    gate = _silu(m @ W_c1 + b_c1) @ W_c2
    trans = coord_diff * gate
    agg_c = jax.ops.segment_sum(trans, row, num_segments=N)
    cnt = jax.ops.segment_sum(jnp.ones((row.shape[0], 1), jnp.float32), row, num_segments=N)
    coord_out = coord + agg_c / jnp.clip(cnt, 1.0, None)
    # node_model_sparse: aggregated sum of messages, node_mlp, residual
    agg_h = jax.ops.segment_sum(m, row, num_segments=N)
    h = jnp.concatenate([node_feat, agg_h], axis=1)
    h = _silu(h @ W_n1 + b_n1) @ W_n2 + b_n2
    node_out = node_feat + h
    return node_out, coord_out

if __name__ == "__main__":
    import jax
    _d = setup_inputs()
    print(jax.jit(kernel)(*tuple(_d.values())))

</pallas_src>

<mosaic_0001>
#map = affine_map<(d0, d1) -> (0, 0)>
module attributes {stable_mosaic.version = 14 : i64} {
  func.func @_gather_body(%arg0: i32, %arg1: i32, %arg2: memref<20480x144xf32, #tpu.memory_space<hbm>>, %arg3: memref<20480x144xf32, #tpu.memory_space<hbm>>, %arg4: memref<2560x128xi32, #tpu.memory_space<hbm>>, %arg5: memref<2560x128xi32, #tpu.memory_space<hbm>>, %arg6: memref<327680x144xf32, #tpu.memory_space<hbm>>, %arg7: memref<80x128xi32, #tpu.memory_space<vmem>>, %arg8: memref<80x128xi32, #tpu.memory_space<vmem>>, %arg9: memref<512x144xf32, #tpu.memory_space<vmem>>, %arg10: memref<!tpu.dma_semaphore, #tpu.memory_space<semaphore_mem>>) attributes {dimension_semantics = [#tpu.dimension_semantics<core_parallel>, #tpu.dimension_semantics<subcore_parallel>], iteration_bounds = array<i64: 2, 16>, scalar_prefetch = 0 : i64, scratch_operands = 4 : i64, tpu.core_type = #tpu.core_type<sc_vector_subcore>, window_params = [{transform_indices = #map}, {transform_indices = #map}, {transform_indices = #map}, {transform_indices = #map}, {transform_indices = #map}]} {
    %mul3A = arith.constant 2 : i32
    %mul3A_0 = arith.muli %arg1, %mul3A : i32
    %add3A = arith.addi %mul3A_0, %arg0 : i32
    %mul3A_1 = arith.constant 80 : i32
    %mul3A_2 = arith.muli %add3A, %mul3A_1 : i32
    "tpu.region"() ({
      %run_scoped3A = tpu.sem_alloc : memref<!tpu.dma_semaphore, #tpu.memory_space<semaphore_mem>>
      %dma_start3A = arith.constant 0 : i32
      %dma_start3A_8 = tpu.memref_slice %arg4[%mul3A_2, %dma_start3A] : memref<2560x128xi32, #tpu.memory_space<hbm>> -> memref<80x128xi32, #tpu.memory_space<hbm>>
      %dma_start3A_9 = arith.constant 0 : i32
      %dma_start3A_10 = tpu.memref_slice %arg4[%mul3A_2, %dma_start3A_9] : memref<2560x128xi32, #tpu.memory_space<hbm>> -> memref<80x128xi32, #tpu.memory_space<hbm>>
      tpu.enqueue_dma source(%dma_start3A_10 : memref<80x128xi32, #tpu.memory_space<hbm>>) target(%arg7 : memref<80x128xi32, #tpu.memory_space<vmem>>) target_semaphore(%run_scoped3A : memref<!tpu.dma_semaphore, #tpu.memory_space<semaphore_mem>>)
      %dma_wait3A = arith.constant 0 : i32
      %dma_wait3A_11 = tpu.memref_slice %arg4[%mul3A_2, %dma_wait3A] : memref<2560x128xi32, #tpu.memory_space<hbm>> -> memref<80x128xi32, #tpu.memory_space<hbm>>
      %dma_wait3A_12 = arith.constant 0 : i32
      %dma_wait3A_13 = tpu.memref_slice %arg4[%mul3A_2, %dma_wait3A_12] : memref<2560x128xi32, #tpu.memory_space<hbm>> -> memref<80x128xi32, #tpu.memory_space<hbm>>
      tpu.wait_dma2 semaphore(%run_scoped3A : memref<!tpu.dma_semaphore, #tpu.memory_space<semaphore_mem>>) src(%dma_wait3A_13 : memref<80x128xi32, #tpu.memory_space<hbm>>) dst(%arg7 : memref<80x128xi32, #tpu.memory_space<vmem>>)
      tpu.yield
    }) : () -> ()
    "tpu.region"() ({
      %run_scoped3A = tpu.sem_alloc : memref<!tpu.dma_semaphore, #tpu.memory_space<semaphore_mem>>
      %dma_start3A = arith.constant 0 : i32
      %dma_start3A_8 = tpu.memref_slice %arg5[%mul3A_2, %dma_start3A] : memref<2560x128xi32, #tpu.memory_space<hbm>> -> memref<80x128xi32, #tpu.memory_space<hbm>>
      %dma_start3A_9 = arith.constant 0 : i32
      %dma_start3A_10 = tpu.memref_slice %arg5[%mul3A_2, %dma_start3A_9] : memref<2560x128xi32, #tpu.memory_space<hbm>> -> memref<80x128xi32, #tpu.memory_space<hbm>>
      tpu.enqueue_dma source(%dma_start3A_10 : memref<80x128xi32, #tpu.memory_space<hbm>>) target(%arg8 : memref<80x128xi32, #tpu.memory_space<vmem>>) target_semaphore(%run_scoped3A : memref<!tpu.dma_semaphore, #tpu.memory_space<semaphore_mem>>)
      %dma_wait3A = arith.constant 0 : i32
      %dma_wait3A_11 = tpu.memref_slice %arg5[%mul3A_2, %dma_wait3A] : memref<2560x128xi32, #tpu.memory_space<hbm>> -> memref<80x128xi32, #tpu.memory_space<hbm>>
      %dma_wait3A_12 = arith.constant 0 : i32
      %dma_wait3A_13 = tpu.memref_slice %arg5[%mul3A_2, %dma_wait3A_12] : memref<2560x128xi32, #tpu.memory_space<hbm>> -> memref<80x128xi32, #tpu.memory_space<hbm>>
      tpu.wait_dma2 semaphore(%run_scoped3A : memref<!tpu.dma_semaphore, #tpu.memory_space<semaphore_mem>>) src(%dma_wait3A_13 : memref<80x128xi32, #tpu.memory_space<hbm>>) dst(%arg8 : memref<80x128xi32, #tpu.memory_space<vmem>>)
      tpu.yield
    }) : () -> ()
    %scan3A = arith.constant 0 : i32
    %scan3A_3 = arith.constant 0 : i32
    %scan3A_4 = arith.constant 20 : i32
    %scan3A_5 = arith.addi %scan3A_3, %scan3A_4 : i32
    %scan3A_6 = arith.constant 1 : i32
    scf.for %scan3A_8 = %scan3A_3 to %scan3A_5 step %scan3A_6  : i32 {
      %mul3A_9 = arith.constant 4 : i32
      %mul3A_10 = arith.muli %scan3A_8, %mul3A_9 : i32
      %add3A_11 = arith.constant 0 : i32
      %add3A_12 = arith.addi %mul3A_10, %add3A_11 : i32
      %dma_start3A = arith.constant 0 : i32
      %dma_start3A_13 = arith.constant 0 : i32
      %dma_start3A_14 = tpu.memref_slice %arg9[%dma_start3A, %dma_start3A_13] : memref<512x144xf32, #tpu.memory_space<vmem>> -> memref<128x144xf32, #tpu.memory_space<vmem>>
      %dma_start3A_15 = arith.constant 0 : i32
      %dma_start3A_16 = tpu.memref_slice %arg7[%add3A_12, %dma_start3A_15] : memref<80x128xi32, #tpu.memory_space<vmem>> -> memref<1x128xi32, #tpu.memory_space<vmem>>
      %dma_start3A_17 = tpu.memref_squeeze %dma_start3A_16 : memref<1x128xi32, #tpu.memory_space<vmem>> -> memref<128xi32, #tpu.memory_space<vmem>>
      %dma_start3A_18 = arith.constant 0 : i32
      %dma_start3A_19 = arith.constant 0 : i32
      %dma_start3A_20 = tpu.memref_slice %arg2[%dma_start3A_18, %dma_start3A_19] : memref<20480x144xf32, #tpu.memory_space<hbm>> -> memref<20480x144xf32, #tpu.memory_space<hbm>>
      tpu.enqueue_indirect_dma source(%dma_start3A_20 : memref<20480x144xf32, #tpu.memory_space<hbm>>) target(%dma_start3A_14 : memref<128x144xf32, #tpu.memory_space<vmem>>) offsets(%dma_start3A_17 : memref<128xi32, #tpu.memory_space<vmem>>) semaphore(%arg10 : memref<!tpu.dma_semaphore, #tpu.memory_space<semaphore_mem>>)
      %add3A_21 = arith.constant 1 : i32
      %add3A_22 = arith.addi %mul3A_10, %add3A_21 : i32
      %dma_start3A_23 = arith.constant 128 : i32
      %dma_start3A_24 = arith.constant 0 : i32
      %dma_start3A_25 = tpu.memref_slice %arg9[%dma_start3A_23, %dma_start3A_24] : memref<512x144xf32, #tpu.memory_space<vmem>> -> memref<128x144xf32, #tpu.memory_space<vmem>>
      %dma_start3A_26 = arith.constant 0 : i32
      %dma_start3A_27 = tpu.memref_slice %arg7[%add3A_22, %dma_start3A_26] : memref<80x128xi32, #tpu.memory_space<vmem>> -> memref<1x128xi32, #tpu.memory_space<vmem>>
      %dma_start3A_28 = tpu.memref_squeeze %dma_start3A_27 : memref<1x128xi32, #tpu.memory_space<vmem>> -> memref<128xi32, #tpu.memory_space<vmem>>
      %dma_start3A_29 = arith.constant 0 : i32
      %dma_start3A_30 = arith.constant 0 : i32
      %dma_start3A_31 = tpu.memref_slice %arg2[%dma_start3A_29, %dma_start3A_30] : memref<20480x144xf32, #tpu.memory_space<hbm>> -> memref<20480x144xf32, #tpu.memory_space<hbm>>
      tpu.enqueue_indirect_dma source(%dma_start3A_31 : memref<20480x144xf32, #tpu.memory_space<hbm>>) target(%dma_start3A_25 : memref<128x144xf32, #tpu.memory_space<vmem>>) offsets(%dma_start3A_28 : memref<128xi32, #tpu.memory_space<vmem>>) semaphore(%arg10 : memref<!tpu.dma_semaphore, #tpu.memory_space<semaphore_mem>>)
      %add3A_32 = arith.constant 2 : i32
      %add3A_33 = arith.addi %mul3A_10, %add3A_32 : i32
      %dma_start3A_34 = arith.constant 256 : i32
      %dma_start3A_35 = arith.constant 0 : i32
      %dma_start3A_36 = tpu.memref_slice %arg9[%dma_start3A_34, %dma_start3A_35] : memref<512x144xf32, #tpu.memory_space<vmem>> -> memref<128x144xf32, #tpu.memory_space<vmem>>
      %dma_start3A_37 = arith.constant 0 : i32
      %dma_start3A_38 = tpu.memref_slice %arg7[%add3A_33, %dma_start3A_37] : memref<80x128xi32, #tpu.memory_space<vmem>> -> memref<1x128xi32, #tpu.memory_space<vmem>>
      %dma_start3A_39 = tpu.memref_squeeze %dma_start3A_38 : memref<1x128xi32, #tpu.memory_space<vmem>> -> memref<128xi32, #tpu.memory_space<vmem>>
      %dma_start3A_40 = arith.constant 0 : i32
      %dma_start3A_41 = arith.constant 0 : i32
      %dma_start3A_42 = tpu.memref_slice %arg2[%dma_start3A_40, %dma_start3A_41] : memref<20480x144xf32, #tpu.memory_space<hbm>> -> memref<20480x144xf32, #tpu.memory_space<hbm>>
      tpu.enqueue_indirect_dma source(%dma_start3A_42 : memref<20480x144xf32, #tpu.memory_space<hbm>>) target(%dma_start3A_36 : memref<128x144xf32, #tpu.memory_space<vmem>>) offsets(%dma_start3A_39 : memref<128xi32, #tpu.memory_space<vmem>>) semaphore(%arg10 : memref<!tpu.dma_semaphore, #tpu.memory_space<semaphore_mem>>)
      %add3A_43 = arith.constant 3 : i32
      %add3A_44 = arith.addi %mul3A_10, %add3A_43 : i32
      %dma_start3A_45 = arith.constant 384 : i32
      %dma_start3A_46 = arith.constant 0 : i32
      %dma_start3A_47 = tpu.memref_slice %arg9[%dma_start3A_45, %dma_start3A_46] : memref<512x144xf32, #tpu.memory_space<vmem>> -> memref<128x144xf32, #tpu.memory_space<vmem>>
      %dma_start3A_48 = arith.constant 0 : i32
      %dma_start3A_49 = tpu.memref_slice %arg7[%add3A_44, %dma_start3A_48] : memref<80x128xi32, #tpu.memory_space<vmem>> -> memref<1x128xi32, #tpu.memory_space<vmem>>
      %dma_start3A_50 = tpu.memref_squeeze %dma_start3A_49 : memref<1x128xi32, #tpu.memory_space<vmem>> -> memref<128xi32, #tpu.memory_space<vmem>>
      %dma_start3A_51 = arith.constant 0 : i32
      %dma_start3A_52 = arith.constant 0 : i32
      %dma_start3A_53 = tpu.memref_slice %arg2[%dma_start3A_51, %dma_start3A_52] : memref<20480x144xf32, #tpu.memory_space<hbm>> -> memref<20480x144xf32, #tpu.memory_space<hbm>>
      tpu.enqueue_indirect_dma source(%dma_start3A_53 : memref<20480x144xf32, #tpu.memory_space<hbm>>) target(%dma_start3A_47 : memref<128x144xf32, #tpu.memory_space<vmem>>) offsets(%dma_start3A_50 : memref<128xi32, #tpu.memory_space<vmem>>) semaphore(%arg10 : memref<!tpu.dma_semaphore, #tpu.memory_space<semaphore_mem>>)
      %dma_wait3A = arith.constant 0 : i32
      %dma_wait3A_54 = arith.constant 0 : i32
      %dma_wait3A_55 = tpu.memref_slice %arg9[%dma_wait3A, %dma_wait3A_54] : memref<512x144xf32, #tpu.memory_space<vmem>> -> memref<128x144xf32, #tpu.memory_space<vmem>>
      %dma_wait3A_56 = arith.constant 0 : i32
      %dma_wait3A_57 = tpu.memref_slice %arg7[%add3A_12, %dma_wait3A_56] : memref<80x128xi32, #tpu.memory_space<vmem>> -> memref<1x128xi32, #tpu.memory_space<vmem>>
      %dma_wait3A_58 = tpu.memref_squeeze %dma_wait3A_57 : memref<1x128xi32, #tpu.memory_space<vmem>> -> memref<128xi32, #tpu.memory_space<vmem>>
      %dma_wait3A_59 = arith.constant 0 : i32
      %dma_wait3A_60 = arith.constant 0 : i32
      %dma_wait3A_61 = tpu.memref_slice %arg2[%dma_wait3A_59, %dma_wait3A_60] : memref<20480x144xf32, #tpu.memory_space<hbm>> -> memref<20480x144xf32, #tpu.memory_space<hbm>>
      tpu.wait_indirect_dma semaphore(%arg10 : memref<!tpu.dma_semaphore, #tpu.memory_space<semaphore_mem>>) src(%dma_wait3A_61 : memref<20480x144xf32, #tpu.memory_space<hbm>>) dst(%dma_wait3A_55 : memref<128x144xf32, #tpu.memory_space<vmem>>)
      %dma_wait3A_62 = arith.constant 128 : i32
      %dma_wait3A_63 = arith.constant 0 : i32
      %dma_wait3A_64 = tpu.memref_slice %arg9[%dma_wait3A_62, %dma_wait3A_63] : memref<512x144xf32, #tpu.memory_space<vmem>> -> memref<128x144xf32, #tpu.memory_space<vmem>>
      %dma_wait3A_65 = arith.constant 0 : i32
      %dma_wait3A_66 = tpu.memref_slice %arg7[%add3A_22, %dma_wait3A_65] : memref<80x128xi32, #tpu.memory_space<vmem>> -> memref<1x128xi32, #tpu.memory_space<vmem>>
      %dma_wait3A_67 = tpu.memref_squeeze %dma_wait3A_66 : memref<1x128xi32, #tpu.memory_space<vmem>> -> memref<128xi32, #tpu.memory_space<vmem>>
      %dma_wait3A_68 = arith.constant 0 : i32
      %dma_wait3A_69 = arith.constant 0 : i32
      %dma_wait3A_70 = tpu.memref_slice %arg2[%dma_wait3A_68, %dma_wait3A_69] : memref<20480x144xf32, #tpu.memory_space<hbm>> -> memref<20480x144xf32, #tpu.memory_space<hbm>>
      tpu.wait_indirect_dma semaphore(%arg10 : memref<!tpu.dma_semaphore, #tpu.memory_space<semaphore_mem>>) src(%dma_wait3A_70 : memref<20480x144xf32, #tpu.memory_space<hbm>>) dst(%dma_wait3A_64 : memref<128x144xf32, #tpu.memory_space<vmem>>)
      %dma_wait3A_71 = arith.constant 256 : i32
      %dma_wait3A_72 = arith.constant 0 : i32
      %dma_wait3A_73 = tpu.memref_slice %arg9[%dma_wait3A_71, %dma_wait3A_72] : memref<512x144xf32, #tpu.memory_space<vmem>> -> memref<128x144xf32, #tpu.memory_space<vmem>>
      %dma_wait3A_74 = arith.constant 0 : i32
      %dma_wait3A_75 = tpu.memref_slice %arg7[%add3A_33, %dma_wait3A_74] : memref<80x128xi32, #tpu.memory_space<vmem>> -> memref<1x128xi32, #tpu.memory_space<vmem>>
      %dma_wait3A_76 = tpu.memref_squeeze %dma_wait3A_75 : memref<1x128xi32, #tpu.memory_space<vmem>> -> memref<128xi32, #tpu.memory_space<vmem>>
      %dma_wait3A_77 = arith.constant 0 : i32
      %dma_wait3A_78 = arith.constant 0 : i32
      %dma_wait3A_79 = tpu.memref_slice %arg2[%dma_wait3A_77, %dma_wait3A_78] : memref<20480x144xf32, #tpu.memory_space<hbm>> -> memref<20480x144xf32, #tpu.memory_space<hbm>>
      tpu.wait_indirect_dma semaphore(%arg10 : memref<!tpu.dma_semaphore, #tpu.memory_space<semaphore_mem>>) src(%dma_wait3A_79 : memref<20480x144xf32, #tpu.memory_space<hbm>>) dst(%dma_wait3A_73 : memref<128x144xf32, #tpu.memory_space<vmem>>)
      %dma_wait3A_80 = arith.constant 384 : i32
      %dma_wait3A_81 = arith.constant 0 : i32
      %dma_wait3A_82 = tpu.memref_slice %arg9[%dma_wait3A_80, %dma_wait3A_81] : memref<512x144xf32, #tpu.memory_space<vmem>> -> memref<128x144xf32, #tpu.memory_space<vmem>>
      %dma_wait3A_83 = arith.constant 0 : i32
      %dma_wait3A_84 = tpu.memref_slice %arg7[%add3A_44, %dma_wait3A_83] : memref<80x128xi32, #tpu.memory_space<vmem>> -> memref<1x128xi32, #tpu.memory_space<vmem>>
      %dma_wait3A_85 = tpu.memref_squeeze %dma_wait3A_84 : memref<1x128xi32, #tpu.memory_space<vmem>> -> memref<128xi32, #tpu.memory_space<vmem>>
      %dma_wait3A_86 = arith.constant 0 : i32
      %dma_wait3A_87 = arith.constant 0 : i32
      %dma_wait3A_88 = tpu.memref_slice %arg2[%dma_wait3A_86, %dma_wait3A_87] : memref<20480x144xf32, #tpu.memory_space<hbm>> -> memref<20480x144xf32, #tpu.memory_space<hbm>>
      tpu.wait_indirect_dma semaphore(%arg10 : memref<!tpu.dma_semaphore, #tpu.memory_space<semaphore_mem>>) src(%dma_wait3A_88 : memref<20480x144xf32, #tpu.memory_space<hbm>>) dst(%dma_wait3A_82 : memref<128x144xf32, #tpu.memory_space<vmem>>)
      %add3A_89 = arith.constant 0 : i32
      %add3A_90 = arith.addi %mul3A_10, %add3A_89 : i32
      %dma_start3A_91 = arith.constant 0 : i32
      %dma_start3A_92 = arith.constant 0 : i32
      %dma_start3A_93 = tpu.memref_slice %arg9[%dma_start3A_91, %dma_start3A_92] : memref<512x144xf32, #tpu.memory_space<vmem>> -> memref<128x144xf32, #tpu.memory_space<vmem>>
      %dma_start3A_94 = arith.constant 0 : i32
      %dma_start3A_95 = tpu.memref_slice %arg8[%add3A_90, %dma_start3A_94] : memref<80x128xi32, #tpu.memory_space<vmem>> -> memref<1x128xi32, #tpu.memory_space<vmem>>
      %dma_start3A_96 = tpu.memref_squeeze %dma_start3A_95 : memref<1x128xi32, #tpu.memory_space<vmem>> -> memref<128xi32, #tpu.memory_space<vmem>>
      %dma_start3A_97 = arith.constant 0 : i32
      %dma_start3A_98 = arith.constant 0 : i32
      %dma_start3A_99 = tpu.memref_slice %arg3[%dma_start3A_97, %dma_start3A_98] : memref<20480x144xf32, #tpu.memory_space<hbm>> -> memref<20480x144xf32, #tpu.memory_space<hbm>>
      tpu.enqueue_indirect_dma source(%dma_start3A_99 : memref<20480x144xf32, #tpu.memory_space<hbm>>) target(%dma_start3A_93 : memref<128x144xf32, #tpu.memory_space<vmem>>) offsets(%dma_start3A_96 : memref<128xi32, #tpu.memory_space<vmem>>) semaphore(%arg10 : memref<!tpu.dma_semaphore, #tpu.memory_space<semaphore_mem>>) {add = true}
      %add3A_100 = arith.constant 1 : i32
      %add3A_101 = arith.addi %mul3A_10, %add3A_100 : i32
      %dma_start3A_102 = arith.constant 128 : i32
      %dma_start3A_103 = arith.constant 0 : i32
      %dma_start3A_104 = tpu.memref_slice %arg9[%dma_start3A_102, %dma_start3A_103] : memref<512x144xf32, #tpu.memory_space<vmem>> -> memref<128x144xf32, #tpu.memory_space<vmem>>
      %dma_start3A_105 = arith.constant 0 : i32
      %dma_start3A_106 = tpu.memref_slice %arg8[%add3A_101, %dma_start3A_105] : memref<80x128xi32, #tpu.memory_space<vmem>> -> memref<1x128xi32, #tpu.memory_space<vmem>>
      %dma_start3A_107 = tpu.memref_squeeze %dma_start3A_106 : memref<1x128xi32, #tpu.memory_space<vmem>> -> memref<128xi32, #tpu.memory_space<vmem>>
      %dma_start3A_108 = arith.constant 0 : i32
      %dma_start3A_109 = arith.constant 0 : i32
      %dma_start3A_110 = tpu.memref_slice %arg3[%dma_start3A_108, %dma_start3A_109] : memref<20480x144xf32, #tpu.memory_space<hbm>> -> memref<20480x144xf32, #tpu.memory_space<hbm>>
      tpu.enqueue_indirect_dma source(%dma_start3A_110 : memref<20480x144xf32, #tpu.memory_space<hbm>>) target(%dma_start3A_104 : memref<128x144xf32, #tpu.memory_space<vmem>>) offsets(%dma_start3A_107 : memref<128xi32, #tpu.memory_space<vmem>>) semaphore(%arg10 : memref<!tpu.dma_semaphore, #tpu.memory_space<semaphore_mem>>) {add = true}
      %add3A_111 = arith.constant 2 : i32
      %add3A_112 = arith.addi %mul3A_10, %add3A_111 : i32
      %dma_start3A_113 = arith.constant 256 : i32
      %dma_start3A_114 = arith.constant 0 : i32
      %dma_start3A_115 = tpu.memref_slice %arg9[%dma_start3A_113, %dma_start3A_114] : memref<512x144xf32, #tpu.memory_space<vmem>> -> memref<128x144xf32, #tpu.memory_space<vmem>>
      %dma_start3A_116 = arith.constant 0 : i32
      %dma_start3A_117 = tpu.memref_slice %arg8[%add3A_112, %dma_start3A_116] : memref<80x128xi32, #tpu.memory_space<vmem>> -> memref<1x128xi32, #tpu.memory_space<vmem>>
      %dma_start3A_118 = tpu.memref_squeeze %dma_start3A_117 : memref<1x128xi32, #tpu.memory_space<vmem>> -> memref<128xi32, #tpu.memory_space<vmem>>
      %dma_start3A_119 = arith.constant 0 : i32
      %dma_start3A_120 = arith.constant 0 : i32
      %dma_start3A_121 = tpu.memref_slice %arg3[%dma_start3A_119, %dma_start3A_120] : memref<20480x144xf32, #tpu.memory_space<hbm>> -> memref<20480x144xf32, #tpu.memory_space<hbm>>
      tpu.enqueue_indirect_dma source(%dma_start3A_121 : memref<20480x144xf32, #tpu.memory_space<hbm>>) target(%dma_start3A_115 : memref<128x144xf32, #tpu.memory_space<vmem>>) offsets(%dma_start3A_118 : memref<128xi32, #tpu.memory_space<vmem>>) semaphore(%arg10 : memref<!tpu.dma_semaphore, #tpu.memory_space<semaphore_mem>>) {add = true}
      %add3A_122 = arith.constant 3 : i32
      %add3A_123 = arith.addi %mul3A_10, %add3A_122 : i32
      %dma_start3A_124 = arith.constant 384 : i32
      %dma_start3A_125 = arith.constant 0 : i32
      %dma_start3A_126 = tpu.memref_slice %arg9[%dma_start3A_124, %dma_start3A_125] : memref<512x144xf32, #tpu.memory_space<vmem>> -> memref<128x144xf32, #tpu.memory_space<vmem>>
      %dma_start3A_127 = arith.constant 0 : i32
      %dma_start3A_128 = tpu.memref_slice %arg8[%add3A_123, %dma_start3A_127] : memref<80x128xi32, #tpu.memory_space<vmem>> -> memref<1x128xi32, #tpu.memory_space<vmem>>
      %dma_start3A_129 = tpu.memref_squeeze %dma_start3A_128 : memref<1x128xi32, #tpu.memory_space<vmem>> -> memref<128xi32, #tpu.memory_space<vmem>>
      %dma_start3A_130 = arith.constant 0 : i32
      %dma_start3A_131 = arith.constant 0 : i32
      %dma_start3A_132 = tpu.memref_slice %arg3[%dma_start3A_130, %dma_start3A_131] : memref<20480x144xf32, #tpu.memory_space<hbm>> -> memref<20480x144xf32, #tpu.memory_space<hbm>>
      tpu.enqueue_indirect_dma source(%dma_start3A_132 : memref<20480x144xf32, #tpu.memory_space<hbm>>) target(%dma_start3A_126 : memref<128x144xf32, #tpu.memory_space<vmem>>) offsets(%dma_start3A_129 : memref<128xi32, #tpu.memory_space<vmem>>) semaphore(%arg10 : memref<!tpu.dma_semaphore, #tpu.memory_space<semaphore_mem>>) {add = true}
      %dma_wait3A_133 = arith.constant 0 : i32
      %dma_wait3A_134 = arith.constant 0 : i32
      %dma_wait3A_135 = tpu.memref_slice %arg9[%dma_wait3A_133, %dma_wait3A_134] : memref<512x144xf32, #tpu.memory_space<vmem>> -> memref<128x144xf32, #tpu.memory_space<vmem>>
      %dma_wait3A_136 = arith.constant 0 : i32
      %dma_wait3A_137 = tpu.memref_slice %arg8[%add3A_90, %dma_wait3A_136] : memref<80x128xi32, #tpu.memory_space<vmem>> -> memref<1x128xi32, #tpu.memory_space<vmem>>
      %dma_wait3A_138 = tpu.memref_squeeze %dma_wait3A_137 : memref<1x128xi32, #tpu.memory_space<vmem>> -> memref<128xi32, #tpu.memory_space<vmem>>
      %dma_wait3A_139 = arith.constant 0 : i32
      %dma_wait3A_140 = arith.constant 0 : i32
      %dma_wait3A_141 = tpu.memref_slice %arg3[%dma_wait3A_139, %dma_wait3A_140] : memref<20480x144xf32, #tpu.memory_space<hbm>> -> memref<20480x144xf32, #tpu.memory_space<hbm>>
      tpu.wait_indirect_dma semaphore(%arg10 : memref<!tpu.dma_semaphore, #tpu.memory_space<semaphore_mem>>) src(%dma_wait3A_141 : memref<20480x144xf32, #tpu.memory_space<hbm>>) dst(%dma_wait3A_135 : memref<128x144xf32, #tpu.memory_space<vmem>>)
      %dma_wait3A_142 = arith.constant 128 : i32
      %dma_wait3A_143 = arith.constant 0 : i32
      %dma_wait3A_144 = tpu.memref_slice %arg9[%dma_wait3A_142, %dma_wait3A_143] : memref<512x144xf32, #tpu.memory_space<vmem>> -> memref<128x144xf32, #tpu.memory_space<vmem>>
      %dma_wait3A_145 = arith.constant 0 : i32
      %dma_wait3A_146 = tpu.memref_slice %arg8[%add3A_101, %dma_wait3A_145] : memref<80x128xi32, #tpu.memory_space<vmem>> -> memref<1x128xi32, #tpu.memory_space<vmem>>
      %dma_wait3A_147 = tpu.memref_squeeze %dma_wait3A_146 : memref<1x128xi32, #tpu.memory_space<vmem>> -> memref<128xi32, #tpu.memory_space<vmem>>
      %dma_wait3A_148 = arith.constant 0 : i32
      %dma_wait3A_149 = arith.constant 0 : i32
      %dma_wait3A_150 = tpu.memref_slice %arg3[%dma_wait3A_148, %dma_wait3A_149] : memref<20480x144xf32, #tpu.memory_space<hbm>> -> memref<20480x144xf32, #tpu.memory_space<hbm>>
      tpu.wait_indirect_dma semaphore(%arg10 : memref<!tpu.dma_semaphore, #tpu.memory_space<semaphore_mem>>) src(%dma_wait3A_150 : memref<20480x144xf32, #tpu.memory_space<hbm>>) dst(%dma_wait3A_144 : memref<128x144xf32, #tpu.memory_space<vmem>>)
      %dma_wait3A_151 = arith.constant 256 : i32
      %dma_wait3A_152 = arith.constant 0 : i32
      %dma_wait3A_153 = tpu.memref_slice %arg9[%dma_wait3A_151, %dma_wait3A_152] : memref<512x144xf32, #tpu.memory_space<vmem>> -> memref<128x144xf32, #tpu.memory_space<vmem>>
      %dma_wait3A_154 = arith.constant 0 : i32
      %dma_wait3A_155 = tpu.memref_slice %arg8[%add3A_112, %dma_wait3A_154] : memref<80x128xi32, #tpu.memory_space<vmem>> -> memref<1x128xi32, #tpu.memory_space<vmem>>
      %dma_wait3A_156 = tpu.memref_squeeze %dma_wait3A_155 : memref<1x128xi32, #tpu.memory_space<vmem>> -> memref<128xi32, #tpu.memory_space<vmem>>
      %dma_wait3A_157 = arith.constant 0 : i32
      %dma_wait3A_158 = arith.constant 0 : i32
      %dma_wait3A_159 = tpu.memref_slice %arg3[%dma_wait3A_157, %dma_wait3A_158] : memref<20480x144xf32, #tpu.memory_space<hbm>> -> memref<20480x144xf32, #tpu.memory_space<hbm>>
      tpu.wait_indirect_dma semaphore(%arg10 : memref<!tpu.dma_semaphore, #tpu.memory_space<semaphore_mem>>) src(%dma_wait3A_159 : memref<20480x144xf32, #tpu.memory_space<hbm>>) dst(%dma_wait3A_153 : memref<128x144xf32, #tpu.memory_space<vmem>>)
      %dma_wait3A_160 = arith.constant 384 : i32
      %dma_wait3A_161 = arith.constant 0 : i32
      %dma_wait3A_162 = tpu.memref_slice %arg9[%dma_wait3A_160, %dma_wait3A_161] : memref<512x144xf32, #tpu.memory_space<vmem>> -> memref<128x144xf32, #tpu.memory_space<vmem>>
      %dma_wait3A_163 = arith.constant 0 : i32
      %dma_wait3A_164 = tpu.memref_slice %arg8[%add3A_123, %dma_wait3A_163] : memref<80x128xi32, #tpu.memory_space<vmem>> -> memref<1x128xi32, #tpu.memory_space<vmem>>
      %dma_wait3A_165 = tpu.memref_squeeze %dma_wait3A_164 : memref<1x128xi32, #tpu.memory_space<vmem>> -> memref<128xi32, #tpu.memory_space<vmem>>
      %dma_wait3A_166 = arith.constant 0 : i32
      %dma_wait3A_167 = arith.constant 0 : i32
      %dma_wait3A_168 = tpu.memref_slice %arg3[%dma_wait3A_166, %dma_wait3A_167] : memref<20480x144xf32, #tpu.memory_space<hbm>> -> memref<20480x144xf32, #tpu.memory_space<hbm>>
      tpu.wait_indirect_dma semaphore(%arg10 : memref<!tpu.dma_semaphore, #tpu.memory_space<semaphore_mem>>) src(%dma_wait3A_168 : memref<20480x144xf32, #tpu.memory_space<hbm>>) dst(%dma_wait3A_162 : memref<128x144xf32, #tpu.memory_space<vmem>>)
      %add3A_169 = arith.addi %mul3A_2, %mul3A_10 : i32
      %mul3A_170 = arith.constant 128 : i32
      %mul3A_171 = arith.muli %add3A_169, %mul3A_170 : i32
      "tpu.region"() ({
        %run_scoped3A = tpu.sem_alloc : memref<!tpu.dma_semaphore, #tpu.memory_space<semaphore_mem>>
        %dma_start3A_172 = arith.constant 0 : i32
        %dma_start3A_173 = tpu.memref_slice %arg6[%mul3A_171, %dma_start3A_172] : memref<327680x144xf32, #tpu.memory_space<hbm>> -> memref<512x144xf32, #tpu.memory_space<hbm>>
        %dma_start3A_174 = arith.constant 0 : i32
        %dma_start3A_175 = tpu.memref_slice %arg6[%mul3A_171, %dma_start3A_174] : memref<327680x144xf32, #tpu.memory_space<hbm>> -> memref<512x144xf32, #tpu.memory_space<hbm>>
        tpu.enqueue_dma source(%arg9 : memref<512x144xf32, #tpu.memory_space<vmem>>) target(%dma_start3A_175 : memref<512x144xf32, #tpu.memory_space<hbm>>) target_semaphore(%run_scoped3A : memref<!tpu.dma_semaphore, #tpu.memory_space<semaphore_mem>>)
        %dma_wait3A_176 = arith.constant 0 : i32
        %dma_wait3A_177 = tpu.memref_slice %arg6[%mul3A_171, %dma_wait3A_176] : memref<327680x144xf32, #tpu.memory_space<hbm>> -> memref<512x144xf32, #tpu.memory_space<hbm>>
        %dma_wait3A_178 = arith.constant 0 : i32
        %dma_wait3A_179 = tpu.memref_slice %arg6[%mul3A_171, %dma_wait3A_178] : memref<327680x144xf32, #tpu.memory_space<hbm>> -> memref<512x144xf32, #tpu.memory_space<hbm>>
        tpu.wait_dma2 semaphore(%run_scoped3A : memref<!tpu.dma_semaphore, #tpu.memory_space<semaphore_mem>>) src(%arg9 : memref<512x144xf32, #tpu.memory_space<vmem>>) dst(%dma_wait3A_179 : memref<512x144xf32, #tpu.memory_space<hbm>>)
        tpu.yield
      }) : () -> ()
    }
    %scan3A_7 = arith.constant 20 : i32
    return
  }
}

#map = affine_map<(d0, d1) -> (0, 0)>
module attributes {stable_mosaic.version = 14 : i64} {
  func.func @_gather_body(%arg0: i32, %arg1: i32, %arg2: memref<20480x144xf32, #tpu.memory_space<hbm>>, %arg3: memref<20480x144xf32, #tpu.memory_space<hbm>>, %arg4: memref<2560x128xi32, #tpu.memory_space<hbm>>, %arg5: memref<2560x128xi32, #tpu.memory_space<hbm>>, %arg6: memref<327680x144xf32, #tpu.memory_space<hbm>>, %arg7: memref<80x128xi32, #tpu.memory_space<vmem>>, %arg8: memref<80x128xi32, #tpu.memory_space<vmem>>, %arg9: memref<512x144xf32, #tpu.memory_space<vmem>>, %arg10: memref<!tpu.dma_semaphore, #tpu.memory_space<semaphore_mem>>) attributes {dimension_semantics = [#tpu.dimension_semantics<core_parallel>, #tpu.dimension_semantics<subcore_parallel>], iteration_bounds = array<i64: 2, 16>, scalar_prefetch = 0 : i64, scratch_operands = 4 : i64, tpu.core_type = #tpu.core_type<sc_vector_subcore>, window_params = [{transform_indices = #map}, {transform_indices = #map}, {transform_indices = #map}, {transform_indices = #map}, {transform_indices = #map}]} {
    %mul3A = arith.constant 2 : i32
    %mul3A_0 = arith.muli %arg1, %mul3A : i32
    %add3A = arith.addi %mul3A_0, %arg0 : i32
    %mul3A_1 = arith.constant 80 : i32
    %mul3A_2 = arith.muli %add3A, %mul3A_1 : i32
    "tpu.region"() ({
      %run_scoped3A = tpu.sem_alloc : memref<!tpu.dma_semaphore, #tpu.memory_space<semaphore_mem>>
      %dma_start3A = arith.constant 0 : i32
      %dma_start3A_8 = tpu.memref_slice %arg4[%mul3A_2, %dma_start3A] : memref<2560x128xi32, #tpu.memory_space<hbm>> -> memref<80x128xi32, #tpu.memory_space<hbm>>
      %dma_start3A_9 = arith.constant 0 : i32
      %dma_start3A_10 = tpu.memref_slice %arg4[%mul3A_2, %dma_start3A_9] : memref<2560x128xi32, #tpu.memory_space<hbm>> -> memref<80x128xi32, #tpu.memory_space<hbm>>
      tpu.enqueue_dma source(%dma_start3A_10 : memref<80x128xi32, #tpu.memory_space<hbm>>) target(%arg7 : memref<80x128xi32, #tpu.memory_space<vmem>>) target_semaphore(%run_scoped3A : memref<!tpu.dma_semaphore, #tpu.memory_space<semaphore_mem>>)
      %dma_wait3A = arith.constant 0 : i32
      %dma_wait3A_11 = tpu.memref_slice %arg4[%mul3A_2, %dma_wait3A] : memref<2560x128xi32, #tpu.memory_space<hbm>> -> memref<80x128xi32, #tpu.memory_space<hbm>>
      %dma_wait3A_12 = arith.constant 0 : i32
      %dma_wait3A_13 = tpu.memref_slice %arg4[%mul3A_2, %dma_wait3A_12] : memref<2560x128xi32, #tpu.memory_space<hbm>> -> memref<80x128xi32, #tpu.memory_space<hbm>>
      tpu.wait_dma2 semaphore(%run_scoped3A : memref<!tpu.dma_semaphore, #tpu.memory_space<semaphore_mem>>) src(%dma_wait3A_13 : memref<80x128xi32, #tpu.memory_space<hbm>>) dst(%arg7 : memref<80x128xi32, #tpu.memory_space<vmem>>)
      tpu.yield
    }) : () -> ()
    "tpu.region"() ({
      %run_scoped3A = tpu.sem_alloc : memref<!tpu.dma_semaphore, #tpu.memory_space<semaphore_mem>>
      %dma_start3A = arith.constant 0 : i32
      %dma_start3A_8 = tpu.memref_slice %arg5[%mul3A_2, %dma_start3A] : memref<2560x128xi32, #tpu.memory_space<hbm>> -> memref<80x128xi32, #tpu.memory_space<hbm>>
      %dma_start3A_9 = arith.constant 0 : i32
      %dma_start3A_10 = tpu.memref_slice %arg5[%mul3A_2, %dma_start3A_9] : memref<2560x128xi32, #tpu.memory_space<hbm>> -> memref<80x128xi32, #tpu.memory_space<hbm>>
      tpu.enqueue_dma source(%dma_start3A_10 : memref<80x128xi32, #tpu.memory_space<hbm>>) target(%arg8 : memref<80x128xi32, #tpu.memory_space<vmem>>) target_semaphore(%run_scoped3A : memref<!tpu.dma_semaphore, #tpu.memory_space<semaphore_mem>>)
      %dma_wait3A = arith.constant 0 : i32
      %dma_wait3A_11 = tpu.memref_slice %arg5[%mul3A_2, %dma_wait3A] : memref<2560x128xi32, #tpu.memory_space<hbm>> -> memref<80x128xi32, #tpu.memory_space<hbm>>
      %dma_wait3A_12 = arith.constant 0 : i32
      %dma_wait3A_13 = tpu.memref_slice %arg5[%mul3A_2, %dma_wait3A_12] : memref<2560x128xi32, #tpu.memory_space<hbm>> -> memref<80x128xi32, #tpu.memory_space<hbm>>
      tpu.wait_dma2 semaphore(%run_scoped3A : memref<!tpu.dma_semaphore, #tpu.memory_space<semaphore_mem>>) src(%dma_wait3A_13 : memref<80x128xi32, #tpu.memory_space<hbm>>) dst(%arg8 : memref<80x128xi32, #tpu.memory_space<vmem>>)
      tpu.yield
    }) : () -> ()
    %scan3A = arith.constant 0 : i32
    %scan3A_3 = arith.constant 0 : i32
    %scan3A_4 = arith.constant 20 : i32
    %scan3A_5 = arith.addi %scan3A_3, %scan3A_4 : i32
    %scan3A_6 = arith.constant 1 : i32
    scf.for %scan3A_8 = %scan3A_3 to %scan3A_5 step %scan3A_6  : i32 {
      %mul3A_9 = arith.constant 4 : i32
      %mul3A_10 = arith.muli %scan3A_8, %mul3A_9 : i32
      %add3A_11 = arith.constant 0 : i32
      %add3A_12 = arith.addi %mul3A_10, %add3A_11 : i32
      %dma_start3A = arith.constant 0 : i32
      %dma_start3A_13 = arith.constant 0 : i32
      %dma_start3A_14 = tpu.memref_slice %arg9[%dma_start3A, %dma_start3A_13] : memref<512x144xf32, #tpu.memory_space<vmem>> -> memref<128x144xf32, #tpu.memory_space<vmem>>
      %dma_start3A_15 = arith.constant 0 : i32
      %dma_start3A_16 = tpu.memref_slice %arg7[%add3A_12, %dma_start3A_15] : memref<80x128xi32, #tpu.memory_space<vmem>> -> memref<1x128xi32, #tpu.memory_space<vmem>>
      %dma_start3A_17 = tpu.memref_squeeze %dma_start3A_16 : memref<1x128xi32, #tpu.memory_space<vmem>> -> memref<128xi32, #tpu.memory_space<vmem>>
      %dma_start3A_18 = arith.constant 0 : i32
      %dma_start3A_19 = arith.constant 0 : i32
      %dma_start3A_20 = tpu.memref_slice %arg2[%dma_start3A_18, %dma_start3A_19] : memref<20480x144xf32, #tpu.memory_space<hbm>> -> memref<20480x144xf32, #tpu.memory_space<hbm>>
      tpu.enqueue_indirect_dma source(%dma_start3A_20 : memref<20480x144xf32, #tpu.memory_space<hbm>>) target(%dma_start3A_14 : memref<128x144xf32, #tpu.memory_space<vmem>>) offsets(%dma_start3A_17 : memref<128xi32, #tpu.memory_space<vmem>>) semaphore(%arg10 : memref<!tpu.dma_semaphore, #tpu.memory_space<semaphore_mem>>)
      %add3A_21 = arith.constant 1 : i32
      %add3A_22 = arith.addi %mul3A_10, %add3A_21 : i32
      %dma_start3A_23 = arith.constant 128 : i32
      %dma_start3A_24 = arith.constant 0 : i32
      %dma_start3A_25 = tpu.memref_slice %arg9[%dma_start3A_23, %dma_start3A_24] : memref<512x144xf32, #tpu.memory_space<vmem>> -> memref<128x144xf32, #tpu.memory_space<vmem>>
      %dma_start3A_26 = arith.constant 0 : i32
      %dma_start3A_27 = tpu.memref_slice %arg7[%add3A_22, %dma_start3A_26] : memref<80x128xi32, #tpu.memory_space<vmem>> -> memref<1x128xi32, #tpu.memory_space<vmem>>
      %dma_start3A_28 = tpu.memref_squeeze %dma_start3A_27 : memref<1x128xi32, #tpu.memory_space<vmem>> -> memref<128xi32, #tpu.memory_space<vmem>>
      %dma_start3A_29 = arith.constant 0 : i32
      %dma_start3A_30 = arith.constant 0 : i32
      %dma_start3A_31 = tpu.memref_slice %arg2[%dma_start3A_29, %dma_start3A_30] : memref<20480x144xf32, #tpu.memory_space<hbm>> -> memref<20480x144xf32, #tpu.memory_space<hbm>>
      tpu.enqueue_indirect_dma source(%dma_start3A_31 : memref<20480x144xf32, #tpu.memory_space<hbm>>) target(%dma_start3A_25 : memref<128x144xf32, #tpu.memory_space<vmem>>) offsets(%dma_start3A_28 : memref<128xi32, #tpu.memory_space<vmem>>) semaphore(%arg10 : memref<!tpu.dma_semaphore, #tpu.memory_space<semaphore_mem>>)
      %add3A_32 = arith.constant 2 : i32
      %add3A_33 = arith.addi %mul3A_10, %add3A_32 : i32
      %dma_start3A_34 = arith.constant 256 : i32
      %dma_start3A_35 = arith.constant 0 : i32
      %dma_start3A_36 = tpu.memref_slice %arg9[%dma_start3A_34, %dma_start3A_35] : memref<512x144xf32, #tpu.memory_space<vmem>> -> memref<128x144xf32, #tpu.memory_space<vmem>>
      %dma_start3A_37 = arith.constant 0 : i32
      %dma_start3A_38 = tpu.memref_slice %arg7[%add3A_33, %dma_start3A_37] : memref<80x128xi32, #tpu.memory_space<vmem>> -> memref<1x128xi32, #tpu.memory_space<vmem>>
      %dma_start3A_39 = tpu.memref_squeeze %dma_start3A_38 : memref<1x128xi32, #tpu.memory_space<vmem>> -> memref<128xi32, #tpu.memory_space<vmem>>
      %dma_start3A_40 = arith.constant 0 : i32
      %dma_start3A_41 = arith.constant 0 : i32
      %dma_start3A_42 = tpu.memref_slice %arg2[%dma_start3A_40, %dma_start3A_41] : memref<20480x144xf32, #tpu.memory_space<hbm>> -> memref<20480x144xf32, #tpu.memory_space<hbm>>
      tpu.enqueue_indirect_dma source(%dma_start3A_42 : memref<20480x144xf32, #tpu.memory_space<hbm>>) target(%dma_start3A_36 : memref<128x144xf32, #tpu.memory_space<vmem>>) offsets(%dma_start3A_39 : memref<128xi32, #tpu.memory_space<vmem>>) semaphore(%arg10 : memref<!tpu.dma_semaphore, #tpu.memory_space<semaphore_mem>>)
      %add3A_43 = arith.constant 3 : i32
      %add3A_44 = arith.addi %mul3A_10, %add3A_43 : i32
      %dma_start3A_45 = arith.constant 384 : i32
      %dma_start3A_46 = arith.constant 0 : i32
      %dma_start3A_47 = tpu.memref_slice %arg9[%dma_start3A_45, %dma_start3A_46] : memref<512x144xf32, #tpu.memory_space<vmem>> -> memref<128x144xf32, #tpu.memory_space<vmem>>
      %dma_start3A_48 = arith.constant 0 : i32
      %dma_start3A_49 = tpu.memref_slice %arg7[%add3A_44, %dma_start3A_48] : memref<80x128xi32, #tpu.memory_space<vmem>> -> memref<1x128xi32, #tpu.memory_space<vmem>>
      %dma_start3A_50 = tpu.memref_squeeze %dma_start3A_49 : memref<1x128xi32, #tpu.memory_space<vmem>> -> memref<128xi32, #tpu.memory_space<vmem>>
      %dma_start3A_51 = arith.constant 0 : i32
      %dma_start3A_52 = arith.constant 0 : i32
      %dma_start3A_53 = tpu.memref_slice %arg2[%dma_start3A_51, %dma_start3A_52] : memref<20480x144xf32, #tpu.memory_space<hbm>> -> memref<20480x144xf32, #tpu.memory_space<hbm>>
      tpu.enqueue_indirect_dma source(%dma_start3A_53 : memref<20480x144xf32, #tpu.memory_space<hbm>>) target(%dma_start3A_47 : memref<128x144xf32, #tpu.memory_space<vmem>>) offsets(%dma_start3A_50 : memref<128xi32, #tpu.memory_space<vmem>>) semaphore(%arg10 : memref<!tpu.dma_semaphore, #tpu.memory_space<semaphore_mem>>)
      %dma_wait3A = arith.constant 0 : i32
      %dma_wait3A_54 = arith.constant 0 : i32
      %dma_wait3A_55 = tpu.memref_slice %arg9[%dma_wait3A, %dma_wait3A_54] : memref<512x144xf32, #tpu.memory_space<vmem>> -> memref<128x144xf32, #tpu.memory_space<vmem>>
      %dma_wait3A_56 = arith.constant 0 : i32
      %dma_wait3A_57 = tpu.memref_slice %arg7[%add3A_12, %dma_wait3A_56] : memref<80x128xi32, #tpu.memory_space<vmem>> -> memref<1x128xi32, #tpu.memory_space<vmem>>
      %dma_wait3A_58 = tpu.memref_squeeze %dma_wait3A_57 : memref<1x128xi32, #tpu.memory_space<vmem>> -> memref<128xi32, #tpu.memory_space<vmem>>
      %dma_wait3A_59 = arith.constant 0 : i32
      %dma_wait3A_60 = arith.constant 0 : i32
      %dma_wait3A_61 = tpu.memref_slice %arg2[%dma_wait3A_59, %dma_wait3A_60] : memref<20480x144xf32, #tpu.memory_space<hbm>> -> memref<20480x144xf32, #tpu.memory_space<hbm>>
      tpu.wait_indirect_dma semaphore(%arg10 : memref<!tpu.dma_semaphore, #tpu.memory_space<semaphore_mem>>) src(%dma_wait3A_61 : memref<20480x144xf32, #tpu.memory_space<hbm>>) dst(%dma_wait3A_55 : memref<128x144xf32, #tpu.memory_space<vmem>>)
      %dma_wait3A_62 = arith.constant 128 : i32
      %dma_wait3A_63 = arith.constant 0 : i32
      %dma_wait3A_64 = tpu.memref_slice %arg9[%dma_wait3A_62, %dma_wait3A_63] : memref<512x144xf32, #tpu.memory_space<vmem>> -> memref<128x144xf32, #tpu.memory_space<vmem>>
      %dma_wait3A_65 = arith.constant 0 : i32
      %dma_wait3A_66 = tpu.memref_slice %arg7[%add3A_22, %dma_wait3A_65] : memref<80x128xi32, #tpu.memory_space<vmem>> -> memref<1x128xi32, #tpu.memory_space<vmem>>
      %dma_wait3A_67 = tpu.memref_squeeze %dma_wait3A_66 : memref<1x128xi32, #tpu.memory_space<vmem>> -> memref<128xi32, #tpu.memory_space<vmem>>
      %dma_wait3A_68 = arith.constant 0 : i32
      %dma_wait3A_69 = arith.constant 0 : i32
      %dma_wait3A_70 = tpu.memref_slice %arg2[%dma_wait3A_68, %dma_wait3A_69] : memref<20480x144xf32, #tpu.memory_space<hbm>> -> memref<20480x144xf32, #tpu.memory_space<hbm>>
      tpu.wait_indirect_dma semaphore(%arg10 : memref<!tpu.dma_semaphore, #tpu.memory_space<semaphore_mem>>) src(%dma_wait3A_70 : memref<20480x144xf32, #tpu.memory_space<hbm>>) dst(%dma_wait3A_64 : memref<128x144xf32, #tpu.memory_space<vmem>>)
      %dma_wait3A_71 = arith.constant 256 : i32
      %dma_wait3A_72 = arith.constant 0 : i32
      %dma_wait3A_73 = tpu.memref_slice %arg9[%dma_wait3A_71, %dma_wait3A_72] : memref<512x144xf32, #tpu.memory_space<vmem>> -> memref<128x144xf32, #tpu.memory_space<vmem>>
      %dma_wait3A_74 = arith.constant 0 : i32
      %dma_wait3A_75 = tpu.memref_slice %arg7[%add3A_33, %dma_wait3A_74] : memref<80x128xi32, #tpu.memory_space<vmem>> -> memref<1x128xi32, #tpu.memory_space<vmem>>
      %dma_wait3A_76 = tpu.memref_squeeze %dma_wait3A_75 : memref<1x128xi32, #tpu.memory_space<vmem>> -> memref<128xi32, #tpu.memory_space<vmem>>
      %dma_wait3A_77 = arith.constant 0 : i32
      %dma_wait3A_78 = arith.constant 0 : i32
      %dma_wait3A_79 = tpu.memref_slice %arg2[%dma_wait3A_77, %dma_wait3A_78] : memref<20480x144xf32, #tpu.memory_space<hbm>> -> memref<20480x144xf32, #tpu.memory_space<hbm>>
      tpu.wait_indirect_dma semaphore(%arg10 : memref<!tpu.dma_semaphore, #tpu.memory_space<semaphore_mem>>) src(%dma_wait3A_79 : memref<20480x144xf32, #tpu.memory_space<hbm>>) dst(%dma_wait3A_73 : memref<128x144xf32, #tpu.memory_space<vmem>>)
      %dma_wait3A_80 = arith.constant 384 : i32
      %dma_wait3A_81 = arith.constant 0 : i32
      %dma_wait3A_82 = tpu.memref_slice %arg9[%dma_wait3A_80, %dma_wait3A_81] : memref<512x144xf32, #tpu.memory_space<vmem>> -> memref<128x144xf32, #tpu.memory_space<vmem>>
      %dma_wait3A_83 = arith.constant 0 : i32
      %dma_wait3A_84 = tpu.memref_slice %arg7[%add3A_44, %dma_wait3A_83] : memref<80x128xi32, #tpu.memory_space<vmem>> -> memref<1x128xi32, #tpu.memory_space<vmem>>
      %dma_wait3A_85 = tpu.memref_squeeze %dma_wait3A_84 : memref<1x128xi32, #tpu.memory_space<vmem>> -> memref<128xi32, #tpu.memory_space<vmem>>
      %dma_wait3A_86 = arith.constant 0 : i32
      %dma_wait3A_87 = arith.constant 0 : i32
      %dma_wait3A_88 = tpu.memref_slice %arg2[%dma_wait3A_86, %dma_wait3A_87] : memref<20480x144xf32, #tpu.memory_space<hbm>> -> memref<20480x144xf32, #tpu.memory_space<hbm>>
      tpu.wait_indirect_dma semaphore(%arg10 : memref<!tpu.dma_semaphore, #tpu.memory_space<semaphore_mem>>) src(%dma_wait3A_88 : memref<20480x144xf32, #tpu.memory_space<hbm>>) dst(%dma_wait3A_82 : memref<128x144xf32, #tpu.memory_space<vmem>>)
      %add3A_89 = arith.constant 0 : i32
      %add3A_90 = arith.addi %mul3A_10, %add3A_89 : i32
      %dma_start3A_91 = arith.constant 0 : i32
      %dma_start3A_92 = arith.constant 0 : i32
      %dma_start3A_93 = tpu.memref_slice %arg9[%dma_start3A_91, %dma_start3A_92] : memref<512x144xf32, #tpu.memory_space<vmem>> -> memref<128x144xf32, #tpu.memory_space<vmem>>
      %dma_start3A_94 = arith.constant 0 : i32
      %dma_start3A_95 = tpu.memref_slice %arg8[%add3A_90, %dma_start3A_94] : memref<80x128xi32, #tpu.memory_space<vmem>> -> memref<1x128xi32, #tpu.memory_space<vmem>>
      %dma_start3A_96 = tpu.memref_squeeze %dma_start3A_95 : memref<1x128xi32, #tpu.memory_space<vmem>> -> memref<128xi32, #tpu.memory_space<vmem>>
      %dma_start3A_97 = arith.constant 0 : i32
      %dma_start3A_98 = arith.constant 0 : i32
      %dma_start3A_99 = tpu.memref_slice %arg3[%dma_start3A_97, %dma_start3A_98] : memref<20480x144xf32, #tpu.memory_space<hbm>> -> memref<20480x144xf32, #tpu.memory_space<hbm>>
      tpu.enqueue_indirect_dma source(%dma_start3A_99 : memref<20480x144xf32, #tpu.memory_space<hbm>>) target(%dma_start3A_93 : memref<128x144xf32, #tpu.memory_space<vmem>>) offsets(%dma_start3A_96 : memref<128xi32, #tpu.memory_space<vmem>>) semaphore(%arg10 : memref<!tpu.dma_semaphore, #tpu.memory_space<semaphore_mem>>) {add = true}
      %add3A_100 = arith.constant 1 : i32
      %add3A_101 = arith.addi %mul3A_10, %add3A_100 : i32
      %dma_start3A_102 = arith.constant 128 : i32
      %dma_start3A_103 = arith.constant 0 : i32
      %dma_start3A_104 = tpu.memref_slice %arg9[%dma_start3A_102, %dma_start3A_103] : memref<512x144xf32, #tpu.memory_space<vmem>> -> memref<128x144xf32, #tpu.memory_space<vmem>>
      %dma_start3A_105 = arith.constant 0 : i32
      %dma_start3A_106 = tpu.memref_slice %arg8[%add3A_101, %dma_start3A_105] : memref<80x128xi32, #tpu.memory_space<vmem>> -> memref<1x128xi32, #tpu.memory_space<vmem>>
      %dma_start3A_107 = tpu.memref_squeeze %dma_start3A_106 : memref<1x128xi32, #tpu.memory_space<vmem>> -> memref<128xi32, #tpu.memory_space<vmem>>
      %dma_start3A_108 = arith.constant 0 : i32
      %dma_start3A_109 = arith.constant 0 : i32
      %dma_start3A_110 = tpu.memref_slice %arg3[%dma_start3A_108, %dma_start3A_109] : memref<20480x144xf32, #tpu.memory_space<hbm>> -> memref<20480x144xf32, #tpu.memory_space<hbm>>
      tpu.enqueue_indirect_dma source(%dma_start3A_110 : memref<20480x144xf32, #tpu.memory_space<hbm>>) target(%dma_start3A_104 : memref<128x144xf32, #tpu.memory_space<vmem>>) offsets(%dma_start3A_107 : memref<128xi32, #tpu.memory_space<vmem>>) semaphore(%arg10 : memref<!tpu.dma_semaphore, #tpu.memory_space<semaphore_mem>>) {add = true}
      %add3A_111 = arith.constant 2 : i32
      %add3A_112 = arith.addi %mul3A_10, %add3A_111 : i32
      %dma_start3A_113 = arith.constant 256 : i32
      %dma_start3A_114 = arith.constant 0 : i32
      %dma_start3A_115 = tpu.memref_slice %arg9[%dma_start3A_113, %dma_start3A_114] : memref<512x144xf32, #tpu.memory_space<vmem>> -> memref<128x144xf32, #tpu.memory_space<vmem>>
      %dma_start3A_116 = arith.constant 0 : i32
      %dma_start3A_117 = tpu.memref_slice %arg8[%add3A_112, %dma_start3A_116] : memref<80x128xi32, #tpu.memory_space<vmem>> -> memref<1x128xi32, #tpu.memory_space<vmem>>
      %dma_start3A_118 = tpu.memref_squeeze %dma_start3A_117 : memref<1x128xi32, #tpu.memory_space<vmem>> -> memref<128xi32, #tpu.memory_space<vmem>>
      %dma_start3A_119 = arith.constant 0 : i32
      %dma_start3A_120 = arith.constant 0 : i32
      %dma_start3A_121 = tpu.memref_slice %arg3[%dma_start3A_119, %dma_start3A_120] : memref<20480x144xf32, #tpu.memory_space<hbm>> -> memref<20480x144xf32, #tpu.memory_space<hbm>>
      tpu.enqueue_indirect_dma source(%dma_start3A_121 : memref<20480x144xf32, #tpu.memory_space<hbm>>) target(%dma_start3A_115 : memref<128x144xf32, #tpu.memory_space<vmem>>) offsets(%dma_start3A_118 : memref<128xi32, #tpu.memory_space<vmem>>) semaphore(%arg10 : memref<!tpu.dma_semaphore, #tpu.memory_space<semaphore_mem>>) {add = true}
      %add3A_122 = arith.constant 3 : i32
      %add3A_123 = arith.addi %mul3A_10, %add3A_122 : i32
      %dma_start3A_124 = arith.constant 384 : i32
      %dma_start3A_125 = arith.constant 0 : i32
      %dma_start3A_126 = tpu.memref_slice %arg9[%dma_start3A_124, %dma_start3A_125] : memref<512x144xf32, #tpu.memory_space<vmem>> -> memref<128x144xf32, #tpu.memory_space<vmem>>
      %dma_start3A_127 = arith.constant 0 : i32
      %dma_start3A_128 = tpu.memref_slice %arg8[%add3A_123, %dma_start3A_127] : memref<80x128xi32, #tpu.memory_space<vmem>> -> memref<1x128xi32, #tpu.memory_space<vmem>>
      %dma_start3A_129 = tpu.memref_squeeze %dma_start3A_128 : memref<1x128xi32, #tpu.memory_space<vmem>> -> memref<128xi32, #tpu.memory_space<vmem>>
      %dma_start3A_130 = arith.constant 0 : i32
      %dma_start3A_131 = arith.constant 0 : i32
      %dma_start3A_132 = tpu.memref_slice %arg3[%dma_start3A_130, %dma_start3A_131] : memref<20480x144xf32, #tpu.memory_space<hbm>> -> memref<20480x144xf32, #tpu.memory_space<hbm>>
      tpu.enqueue_indirect_dma source(%dma_start3A_132 : memref<20480x144xf32, #tpu.memory_space<hbm>>) target(%dma_start3A_126 : memref<128x144xf32, #tpu.memory_space<vmem>>) offsets(%dma_start3A_129 : memref<128xi32, #tpu.memory_space<vmem>>) semaphore(%arg10 : memref<!tpu.dma_semaphore, #tpu.memory_space<semaphore_mem>>) {add = true}
      %dma_wait3A_133 = arith.constant 0 : i32
      %dma_wait3A_134 = arith.constant 0 : i32
      %dma_wait3A_135 = tpu.memref_slice %arg9[%dma_wait3A_133, %dma_wait3A_134] : memref<512x144xf32, #tpu.memory_space<vmem>> -> memref<128x144xf32, #tpu.memory_space<vmem>>
      %dma_wait3A_136 = arith.constant 0 : i32
      %dma_wait3A_137 = tpu.memref_slice %arg8[%add3A_90, %dma_wait3A_136] : memref<80x128xi32, #tpu.memory_space<vmem>> -> memref<1x128xi32, #tpu.memory_space<vmem>>
      %dma_wait3A_138 = tpu.memref_squeeze %dma_wait3A_137 : memref<1x128xi32, #tpu.memory_space<vmem>> -> memref<128xi32, #tpu.memory_space<vmem>>
      %dma_wait3A_139 = arith.constant 0 : i32
      %dma_wait3A_140 = arith.constant 0 : i32
      %dma_wait3A_141 = tpu.memref_slice %arg3[%dma_wait3A_139, %dma_wait3A_140] : memref<20480x144xf32, #tpu.memory_space<hbm>> -> memref<20480x144xf32, #tpu.memory_space<hbm>>
      tpu.wait_indirect_dma semaphore(%arg10 : memref<!tpu.dma_semaphore, #tpu.memory_space<semaphore_mem>>) src(%dma_wait3A_141 : memref<20480x144xf32, #tpu.memory_space<hbm>>) dst(%dma_wait3A_135 : memref<128x144xf32, #tpu.memory_space<vmem>>)
      %dma_wait3A_142 = arith.constant 128 : i32
      %dma_wait3A_143 = arith.constant 0 : i32
      %dma_wait3A_144 = tpu.memref_slice %arg9[%dma_wait3A_142, %dma_wait3A_143] : memref<512x144xf32, #tpu.memory_space<vmem>> -> memref<128x144xf32, #tpu.memory_space<vmem>>
      %dma_wait3A_145 = arith.constant 0 : i32
      %dma_wait3A_146 = tpu.memref_slice %arg8[%add3A_101, %dma_wait3A_145] : memref<80x128xi32, #tpu.memory_space<vmem>> -> memref<1x128xi32, #tpu.memory_space<vmem>>
      %dma_wait3A_147 = tpu.memref_squeeze %dma_wait3A_146 : memref<1x128xi32, #tpu.memory_space<vmem>> -> memref<128xi32, #tpu.memory_space<vmem>>
      %dma_wait3A_148 = arith.constant 0 : i32
      %dma_wait3A_149 = arith.constant 0 : i32
      %dma_wait3A_150 = tpu.memref_slice %arg3[%dma_wait3A_148, %dma_wait3A_149] : memref<20480x144xf32, #tpu.memory_space<hbm>> -> memref<20480x144xf32, #tpu.memory_space<hbm>>
      tpu.wait_indirect_dma semaphore(%arg10 : memref<!tpu.dma_semaphore, #tpu.memory_space<semaphore_mem>>) src(%dma_wait3A_150 : memref<20480x144xf32, #tpu.memory_space<hbm>>) dst(%dma_wait3A_144 : memref<128x144xf32, #tpu.memory_space<vmem>>)
      %dma_wait3A_151 = arith.constant 256 : i32
      %dma_wait3A_152 = arith.constant 0 : i32
      %dma_wait3A_153 = tpu.memref_slice %arg9[%dma_wait3A_151, %dma_wait3A_152] : memref<512x144xf32, #tpu.memory_space<vmem>> -> memref<128x144xf32, #tpu.memory_space<vmem>>
      %dma_wait3A_154 = arith.constant 0 : i32
      %dma_wait3A_155 = tpu.memref_slice %arg8[%add3A_112, %dma_wait3A_154] : memref<80x128xi32, #tpu.memory_space<vmem>> -> memref<1x128xi32, #tpu.memory_space<vmem>>
      %dma_wait3A_156 = tpu.memref_squeeze %dma_wait3A_155 : memref<1x128xi32, #tpu.memory_space<vmem>> -> memref<128xi32, #tpu.memory_space<vmem>>
      %dma_wait3A_157 = arith.constant 0 : i32
      %dma_wait3A_158 = arith.constant 0 : i32
      %dma_wait3A_159 = tpu.memref_slice %arg3[%dma_wait3A_157, %dma_wait3A_158] : memref<20480x144xf32, #tpu.memory_space<hbm>> -> memref<20480x144xf32, #tpu.memory_space<hbm>>
      tpu.wait_indirect_dma semaphore(%arg10 : memref<!tpu.dma_semaphore, #tpu.memory_space<semaphore_mem>>) src(%dma_wait3A_159 : memref<20480x144xf32, #tpu.memory_space<hbm>>) dst(%dma_wait3A_153 : memref<128x144xf32, #tpu.memory_space<vmem>>)
      %dma_wait3A_160 = arith.constant 384 : i32
      %dma_wait3A_161 = arith.constant 0 : i32
      %dma_wait3A_162 = tpu.memref_slice %arg9[%dma_wait3A_160, %dma_wait3A_161] : memref<512x144xf32, #tpu.memory_space<vmem>> -> memref<128x144xf32, #tpu.memory_space<vmem>>
      %dma_wait3A_163 = arith.constant 0 : i32
      %dma_wait3A_164 = tpu.memref_slice %arg8[%add3A_123, %dma_wait3A_163] : memref<80x128xi32, #tpu.memory_space<vmem>> -> memref<1x128xi32, #tpu.memory_space<vmem>>
      %dma_wait3A_165 = tpu.memref_squeeze %dma_wait3A_164 : memref<1x128xi32, #tpu.memory_space<vmem>> -> memref<128xi32, #tpu.memory_space<vmem>>
      %dma_wait3A_166 = arith.constant 0 : i32
      %dma_wait3A_167 = arith.constant 0 : i32
      %dma_wait3A_168 = tpu.memref_slice %arg3[%dma_wait3A_166, %dma_wait3A_167] : memref<20480x144xf32, #tpu.memory_space<hbm>> -> memref<20480x144xf32, #tpu.memory_space<hbm>>
      tpu.wait_indirect_dma semaphore(%arg10 : memref<!tpu.dma_semaphore, #tpu.memory_space<semaphore_mem>>) src(%dma_wait3A_168 : memref<20480x144xf32, #tpu.memory_space<hbm>>) dst(%dma_wait3A_162 : memref<128x144xf32, #tpu.memory_space<vmem>>)
      %add3A_169 = arith.addi %mul3A_2, %mul3A_10 : i32
      %mul3A_170 = arith.constant 128 : i32
      %mul3A_171 = arith.muli %add3A_169, %mul3A_170 : i32
      "tpu.region"() ({
        %run_scoped3A = tpu.sem_alloc : memref<!tpu.dma_semaphore, #tpu.memory_space<semaphore_mem>>
        %dma_start3A_172 = arith.constant 0 : i32
        %dma_start3A_173 = tpu.memref_slice %arg6[%mul3A_171, %dma_start3A_172] : memref<327680x144xf32, #tpu.memory_space<hbm>> -> memref<512x144xf32, #tpu.memory_space<hbm>>
        %dma_start3A_174 = arith.constant 0 : i32
        %dma_start3A_175 = tpu.memref_slice %arg6[%mul3A_171, %dma_start3A_174] : memref<327680x144xf32, #tpu.memory_space<hbm>> -> memref<512x144xf32, #tpu.memory_space<hbm>>
        tpu.enqueue_dma source(%arg9 : memref<512x144xf32, #tpu.memory_space<vmem>>) target(%dma_start3A_175 : memref<512x144xf32, #tpu.memory_space<hbm>>) target_semaphore(%run_scoped3A : memref<!tpu.dma_semaphore, #tpu.memory_space<semaphore_mem>>)
        %dma_wait3A_176 = arith.constant 0 : i32
        %dma_wait3A_177 = tpu.memref_slice %arg6[%mul3A_171, %dma_wait3A_176] : memref<327680x144xf32, #tpu.memory_space<hbm>> -> memref<512x144xf32, #tpu.memory_space<hbm>>
        %dma_wait3A_178 = arith.constant 0 : i32
        %dma_wait3A_179 = tpu.memref_slice %arg6[%mul3A_171, %dma_wait3A_178] : memref<327680x144xf32, #tpu.memory_space<hbm>> -> memref<512x144xf32, #tpu.memory_space<hbm>>
        tpu.wait_dma2 semaphore(%run_scoped3A : memref<!tpu.dma_semaphore, #tpu.memory_space<semaphore_mem>>) src(%arg9 : memref<512x144xf32, #tpu.memory_space<vmem>>) dst(%dma_wait3A_179 : memref<512x144xf32, #tpu.memory_space<hbm>>)
        tpu.yield
      }) : () -> ()
    }
    %scan3A_7 = arith.constant 20 : i32
    return
  }
}

#map = affine_map<(d0, d1) -> (0, 0)>
#map1 = affine_map<(d0, d1) -> (0, 0, 0)>
module attributes {stable_mosaic.version = 14 : i64} {
  func.func @_scatter_body(%arg0: i32, %arg1: i32, %arg2: memref<327680x144xf32, #tpu.memory_space<hbm>>, %arg3: memref<2560x128xi32, #tpu.memory_space<hbm>>, %arg4: memref<10240x144xf32, #tpu.memory_space<hbm>>, %arg5: memref<2x10240x144xf32, #tpu.memory_space<hbm>>, %arg6: memref<2x128xi32, #tpu.memory_space<vmem>>, %arg7: memref<256x144xf32, #tpu.memory_space<vmem>>, %arg8: memref<10240x144xf32, #tpu.memory_space<vmem_shared>>, %arg9: memref<!tpu.dma_semaphore, #tpu.memory_space<semaphore_mem>>) attributes {dimension_semantics = [#tpu.dimension_semantics<core_parallel>, #tpu.dimension_semantics<subcore_parallel>], iteration_bounds = array<i64: 2, 16>, scalar_prefetch = 0 : i64, scratch_operands = 4 : i64, tpu.core_type = #tpu.core_type<sc_vector_subcore>, window_params = [{transform_indices = #map}, {transform_indices = #map}, {transform_indices = #map}, {transform_indices = #map1}]} {
    %mul3A = arith.constant 2 : i32
    %mul3A_0 = arith.muli %arg1, %mul3A : i32
    %add3A = arith.addi %mul3A_0, %arg0 : i32
    %mul3A_1 = arith.constant 640 : i32
    %mul3A_2 = arith.muli %arg1, %mul3A_1 : i32
    "tpu.region"() ({
      %run_scoped3A = tpu.sem_alloc : memref<!tpu.dma_semaphore, #tpu.memory_space<semaphore_mem>>
      %dma_start3A = arith.constant 0 : i32
      %dma_start3A_9 = tpu.memref_slice %arg8[%mul3A_2, %dma_start3A] : memref<10240x144xf32, #tpu.memory_space<vmem_shared>> -> memref<640x144xf32, #tpu.memory_space<vmem_shared>>
      %dma_start3A_10 = arith.constant 0 : i32
      %dma_start3A_11 = tpu.memref_slice %arg4[%mul3A_2, %dma_start3A_10] : memref<10240x144xf32, #tpu.memory_space<hbm>> -> memref<640x144xf32, #tpu.memory_space<hbm>>
      tpu.enqueue_dma source(%dma_start3A_11 : memref<640x144xf32, #tpu.memory_space<hbm>>) target(%dma_start3A_9 : memref<640x144xf32, #tpu.memory_space<vmem_shared>>) target_semaphore(%run_scoped3A : memref<!tpu.dma_semaphore, #tpu.memory_space<semaphore_mem>>)
      %dma_wait3A = arith.constant 0 : i32
      %dma_wait3A_12 = tpu.memref_slice %arg8[%mul3A_2, %dma_wait3A] : memref<10240x144xf32, #tpu.memory_space<vmem_shared>> -> memref<640x144xf32, #tpu.memory_space<vmem_shared>>
      %dma_wait3A_13 = arith.constant 0 : i32
      %dma_wait3A_14 = tpu.memref_slice %arg4[%mul3A_2, %dma_wait3A_13] : memref<10240x144xf32, #tpu.memory_space<hbm>> -> memref<640x144xf32, #tpu.memory_space<hbm>>
      tpu.wait_dma2 semaphore(%run_scoped3A : memref<!tpu.dma_semaphore, #tpu.memory_space<semaphore_mem>>) src(%dma_wait3A_14 : memref<640x144xf32, #tpu.memory_space<hbm>>) dst(%dma_wait3A_12 : memref<640x144xf32, #tpu.memory_space<vmem_shared>>)
      tpu.yield
    }) : () -> ()
    %barrier3A = arith.constant 0 : index
    tpu.barrier barrier_id(%barrier3A)
    %scan3A = arith.constant 0 : i32
    %scan3A_3 = arith.constant 0 : i32
    %scan3A_4 = arith.constant 40 : i32
    %scan3A_5 = arith.addi %scan3A_3, %scan3A_4 : i32
    %scan3A_6 = arith.constant 1 : i32
    scf.for %scan3A_9 = %scan3A_3 to %scan3A_5 step %scan3A_6  : i32 {
      %mul3A_10 = arith.constant 80 : i32
      %mul3A_11 = arith.muli %add3A, %mul3A_10 : i32
      %mul3A_12 = arith.constant 2 : i32
      %mul3A_13 = arith.muli %scan3A_9, %mul3A_12 : i32
      %add3A_14 = arith.addi %mul3A_11, %mul3A_13 : i32
      "tpu.region"() ({
        %run_scoped3A = tpu.sem_alloc : memref<!tpu.dma_semaphore, #tpu.memory_space<semaphore_mem>>
        %dma_start3A_55 = arith.constant 0 : i32
        %dma_start3A_56 = tpu.memref_slice %arg3[%add3A_14, %dma_start3A_55] : memref<2560x128xi32, #tpu.memory_space<hbm>> -> memref<2x128xi32, #tpu.memory_space<hbm>>
        %dma_start3A_57 = arith.constant 0 : i32
        %dma_start3A_58 = tpu.memref_slice %arg3[%add3A_14, %dma_start3A_57] : memref<2560x128xi32, #tpu.memory_space<hbm>> -> memref<2x128xi32, #tpu.memory_space<hbm>>
        tpu.enqueue_dma source(%dma_start3A_58 : memref<2x128xi32, #tpu.memory_space<hbm>>) target(%arg6 : memref<2x128xi32, #tpu.memory_space<vmem>>) target_semaphore(%run_scoped3A : memref<!tpu.dma_semaphore, #tpu.memory_space<semaphore_mem>>)
        %dma_wait3A_59 = arith.constant 0 : i32
        %dma_wait3A_60 = tpu.memref_slice %arg3[%add3A_14, %dma_wait3A_59] : memref<2560x128xi32, #tpu.memory_space<hbm>> -> memref<2x128xi32, #tpu.memory_space<hbm>>
        %dma_wait3A_61 = arith.constant 0 : i32
        %dma_wait3A_62 = tpu.memref_slice %arg3[%add3A_14, %dma_wait3A_61] : memref<2560x128xi32, #tpu.memory_space<hbm>> -> memref<2x128xi32, #tpu.memory_space<hbm>>
        tpu.wait_dma2 semaphore(%run_scoped3A : memref<!tpu.dma_semaphore, #tpu.memory_space<semaphore_mem>>) src(%dma_wait3A_62 : memref<2x128xi32, #tpu.memory_space<hbm>>) dst(%arg6 : memref<2x128xi32, #tpu.memory_space<vmem>>)
        tpu.yield
      }) : () -> ()
      %mul3A_15 = arith.constant 128 : i32
      %mul3A_16 = arith.muli %add3A_14, %mul3A_15 : i32
      "tpu.region"() ({
        %run_scoped3A = tpu.sem_alloc : memref<!tpu.dma_semaphore, #tpu.memory_space<semaphore_mem>>
        %dma_start3A_55 = arith.constant 0 : i32
        %dma_start3A_56 = tpu.memref_slice %arg2[%mul3A_16, %dma_start3A_55] : memref<327680x144xf32, #tpu.memory_space<hbm>> -> memref<256x144xf32, #tpu.memory_space<hbm>>
        %dma_start3A_57 = arith.constant 0 : i32
        %dma_start3A_58 = tpu.memref_slice %arg2[%mul3A_16, %dma_start3A_57] : memref<327680x144xf32, #tpu.memory_space<hbm>> -> memref<256x144xf32, #tpu.memory_space<hbm>>
        tpu.enqueue_dma source(%dma_start3A_58 : memref<256x144xf32, #tpu.memory_space<hbm>>) target(%arg7 : memref<256x144xf32, #tpu.memory_space<vmem>>) target_semaphore(%run_scoped3A : memref<!tpu.dma_semaphore, #tpu.memory_space<semaphore_mem>>)
        %dma_wait3A_59 = arith.constant 0 : i32
        %dma_wait3A_60 = tpu.memref_slice %arg2[%mul3A_16, %dma_wait3A_59] : memref<327680x144xf32, #tpu.memory_space<hbm>> -> memref<256x144xf32, #tpu.memory_space<hbm>>
        %dma_wait3A_61 = arith.constant 0 : i32
        %dma_wait3A_62 = tpu.memref_slice %arg2[%mul3A_16, %dma_wait3A_61] : memref<327680x144xf32, #tpu.memory_space<hbm>> -> memref<256x144xf32, #tpu.memory_space<hbm>>
        tpu.wait_dma2 semaphore(%run_scoped3A : memref<!tpu.dma_semaphore, #tpu.memory_space<semaphore_mem>>) src(%dma_wait3A_62 : memref<256x144xf32, #tpu.memory_space<hbm>>) dst(%arg7 : memref<256x144xf32, #tpu.memory_space<vmem>>)
        tpu.yield
      }) : () -> ()
      %dma_start3A = arith.constant 0 : i32
      %dma_start3A_17 = arith.constant 0 : i32
      %dma_start3A_18 = arith.constant 0 : i32
      %dma_start3A_19 = tpu.memref_slice %arg7[%dma_start3A_17, %dma_start3A_18] : memref<256x144xf32, #tpu.memory_space<vmem>> -> memref<128x144xf32, #tpu.memory_space<vmem>>
      %dma_start3A_20 = arith.constant 0 : i32
      %dma_start3A_21 = tpu.memref_slice %arg6[%dma_start3A, %dma_start3A_20] : memref<2x128xi32, #tpu.memory_space<vmem>> -> memref<1x128xi32, #tpu.memory_space<vmem>>
      %dma_start3A_22 = tpu.memref_squeeze %dma_start3A_21 : memref<1x128xi32, #tpu.memory_space<vmem>> -> memref<128xi32, #tpu.memory_space<vmem>>
      %dma_start3A_23 = arith.constant 0 : i32
      %dma_start3A_24 = arith.constant 0 : i32
      %dma_start3A_25 = tpu.memref_slice %arg8[%dma_start3A_23, %dma_start3A_24] : memref<10240x144xf32, #tpu.memory_space<vmem_shared>> -> memref<10240x144xf32, #tpu.memory_space<vmem_shared>>
      tpu.enqueue_indirect_dma source(%dma_start3A_19 : memref<128x144xf32, #tpu.memory_space<vmem>>) target(%dma_start3A_25 : memref<10240x144xf32, #tpu.memory_space<vmem_shared>>) offsets(%dma_start3A_22 : memref<128xi32, #tpu.memory_space<vmem>>) semaphore(%arg9 : memref<!tpu.dma_semaphore, #tpu.memory_space<semaphore_mem>>) {add = true}
      %dma_start3A_26 = arith.constant 1 : i32
      %dma_start3A_27 = arith.constant 128 : i32
      %dma_start3A_28 = arith.constant 0 : i32
      %dma_start3A_29 = tpu.memref_slice %arg7[%dma_start3A_27, %dma_start3A_28] : memref<256x144xf32, #tpu.memory_space<vmem>> -> memref<128x144xf32, #tpu.memory_space<vmem>>
      %dma_start3A_30 = arith.constant 0 : i32
      %dma_start3A_31 = tpu.memref_slice %arg6[%dma_start3A_26, %dma_start3A_30] : memref<2x128xi32, #tpu.memory_space<vmem>> -> memref<1x128xi32, #tpu.memory_space<vmem>>
      %dma_start3A_32 = tpu.memref_squeeze %dma_start3A_31 : memref<1x128xi32, #tpu.memory_space<vmem>> -> memref<128xi32, #tpu.memory_space<vmem>>
      %dma_start3A_33 = arith.constant 0 : i32
      %dma_start3A_34 = arith.constant 0 : i32
      %dma_start3A_35 = tpu.memref_slice %arg8[%dma_start3A_33, %dma_start3A_34] : memref<10240x144xf32, #tpu.memory_space<vmem_shared>> -> memref<10240x144xf32, #tpu.memory_space<vmem_shared>>
      tpu.enqueue_indirect_dma source(%dma_start3A_29 : memref<128x144xf32, #tpu.memory_space<vmem>>) target(%dma_start3A_35 : memref<10240x144xf32, #tpu.memory_space<vmem_shared>>) offsets(%dma_start3A_32 : memref<128xi32, #tpu.memory_space<vmem>>) semaphore(%arg9 : memref<!tpu.dma_semaphore, #tpu.memory_space<semaphore_mem>>) {add = true}
      %dma_wait3A = arith.constant 0 : i32
      %dma_wait3A_36 = arith.constant 0 : i32
      %dma_wait3A_37 = arith.constant 0 : i32
      %dma_wait3A_38 = tpu.memref_slice %arg7[%dma_wait3A_36, %dma_wait3A_37] : memref<256x144xf32, #tpu.memory_space<vmem>> -> memref<128x144xf32, #tpu.memory_space<vmem>>
      %dma_wait3A_39 = arith.constant 0 : i32
      %dma_wait3A_40 = tpu.memref_slice %arg6[%dma_wait3A, %dma_wait3A_39] : memref<2x128xi32, #tpu.memory_space<vmem>> -> memref<1x128xi32, #tpu.memory_space<vmem>>
      %dma_wait3A_41 = tpu.memref_squeeze %dma_wait3A_40 : memref<1x128xi32, #tpu.memory_space<vmem>> -> memref<128xi32, #tpu.memory_space<vmem>>
      %dma_wait3A_42 = arith.constant 0 : i32
      %dma_wait3A_43 = arith.constant 0 : i32
      %dma_wait3A_44 = tpu.memref_slice %arg8[%dma_wait3A_42, %dma_wait3A_43] : memref<10240x144xf32, #tpu.memory_space<vmem_shared>> -> memref<10240x144xf32, #tpu.memory_space<vmem_shared>>
      tpu.wait_indirect_dma semaphore(%arg9 : memref<!tpu.dma_semaphore, #tpu.memory_space<semaphore_mem>>) src(%dma_wait3A_38 : memref<128x144xf32, #tpu.memory_space<vmem>>) dst(%dma_wait3A_44 : memref<10240x144xf32, #tpu.memory_space<vmem_shared>>)
      %dma_wait3A_45 = arith.constant 1 : i32
      %dma_wait3A_46 = arith.constant 128 : i32
      %dma_wait3A_47 = arith.constant 0 : i32
      %dma_wait3A_48 = tpu.memref_slice %arg7[%dma_wait3A_46, %dma_wait3A_47] : memref<256x144xf32, #tpu.memory_space<vmem>> -> memref<128x144xf32, #tpu.memory_space<vmem>>
      %dma_wait3A_49 = arith.constant 0 : i32
      %dma_wait3A_50 = tpu.memref_slice %arg6[%dma_wait3A_45, %dma_wait3A_49] : memref<2x128xi32, #tpu.memory_space<vmem>> -> memref<1x128xi32, #tpu.memory_space<vmem>>
      %dma_wait3A_51 = tpu.memref_squeeze %dma_wait3A_50 : memref<1x128xi32, #tpu.memory_space<vmem>> -> memref<128xi32, #tpu.memory_space<vmem>>
      %dma_wait3A_52 = arith.constant 0 : i32
      %dma_wait3A_53 = arith.constant 0 : i32
      %dma_wait3A_54 = tpu.memref_slice %arg8[%dma_wait3A_52, %dma_wait3A_53] : memref<10240x144xf32, #tpu.memory_space<vmem_shared>> -> memref<10240x144xf32, #tpu.memory_space<vmem_shared>>
      tpu.wait_indirect_dma semaphore(%arg9 : memref<!tpu.dma_semaphore, #tpu.memory_space<semaphore_mem>>) src(%dma_wait3A_48 : memref<128x144xf32, #tpu.memory_space<vmem>>) dst(%dma_wait3A_54 : memref<10240x144xf32, #tpu.memory_space<vmem_shared>>)
    }
    %scan3A_7 = arith.constant 40 : i32
    %barrier3A_8 = arith.constant 0 : index
    tpu.barrier barrier_id(%barrier3A_8)
    "tpu.region"() ({
      %run_scoped3A = tpu.sem_alloc : memref<!tpu.dma_semaphore, #tpu.memory_space<semaphore_mem>>
      %dma_start3A = arith.constant 0 : i32
      %dma_start3A_9 = tpu.memref_slice %arg5[%arg0, %mul3A_2, %dma_start3A] : memref<2x10240x144xf32, #tpu.memory_space<hbm>> -> memref<1x640x144xf32, #tpu.memory_space<hbm>>
      %dma_start3A_10 = tpu.memref_squeeze %dma_start3A_9 : memref<1x640x144xf32, #tpu.memory_space<hbm>> -> memref<640x144xf32, #tpu.memory_space<hbm>>
      %dma_start3A_11 = arith.constant 0 : i32
      %dma_start3A_12 = tpu.memref_slice %arg8[%mul3A_2, %dma_start3A_11] : memref<10240x144xf32, #tpu.memory_space<vmem_shared>> -> memref<640x144xf32, #tpu.memory_space<vmem_shared>>
      tpu.enqueue_dma source(%dma_start3A_12 : memref<640x144xf32, #tpu.memory_space<vmem_shared>>) target(%dma_start3A_10 : memref<640x144xf32, #tpu.memory_space<hbm>>) target_semaphore(%run_scoped3A : memref<!tpu.dma_semaphore, #tpu.memory_space<semaphore_mem>>)
      %dma_wait3A = arith.constant 0 : i32
      %dma_wait3A_13 = tpu.memref_slice %arg5[%arg0, %mul3A_2, %dma_wait3A] : memref<2x10240x144xf32, #tpu.memory_space<hbm>> -> memref<1x640x144xf32, #tpu.memory_space<hbm>>
      %dma_wait3A_14 = tpu.memref_squeeze %dma_wait3A_13 : memref<1x640x144xf32, #tpu.memory_space<hbm>> -> memref<640x144xf32, #tpu.memory_space<hbm>>
      %dma_wait3A_15 = arith.constant 0 : i32
      %dma_wait3A_16 = tpu.memref_slice %arg8[%mul3A_2, %dma_wait3A_15] : memref<10240x144xf32, #tpu.memory_space<vmem_shared>> -> memref<640x144xf32, #tpu.memory_space<vmem_shared>>
      tpu.wait_dma2 semaphore(%run_scoped3A : memref<!tpu.dma_semaphore, #tpu.memory_space<semaphore_mem>>) src(%dma_wait3A_16 : memref<640x144xf32, #tpu.memory_space<vmem_shared>>) dst(%dma_wait3A_14 : memref<640x144xf32, #tpu.memory_space<hbm>>)
      tpu.yield
    }) : () -> ()
    return
  }
}

#map = affine_map<(d0, d1) -> (0, 0)>
#map1 = affine_map<(d0, d1) -> (0, 0, 0)>
module attributes {stable_mosaic.version = 14 : i64} {
  func.func @_scatter_body(%arg0: i32, %arg1: i32, %arg2: memref<327680x144xf32, #tpu.memory_space<hbm>>, %arg3: memref<2560x128xi32, #tpu.memory_space<hbm>>, %arg4: memref<10240x144xf32, #tpu.memory_space<hbm>>, %arg5: memref<2x10240x144xf32, #tpu.memory_space<hbm>>, %arg6: memref<2x128xi32, #tpu.memory_space<vmem>>, %arg7: memref<256x144xf32, #tpu.memory_space<vmem>>, %arg8: memref<10240x144xf32, #tpu.memory_space<vmem_shared>>, %arg9: memref<!tpu.dma_semaphore, #tpu.memory_space<semaphore_mem>>) attributes {dimension_semantics = [#tpu.dimension_semantics<core_parallel>, #tpu.dimension_semantics<subcore_parallel>], iteration_bounds = array<i64: 2, 16>, scalar_prefetch = 0 : i64, scratch_operands = 4 : i64, tpu.core_type = #tpu.core_type<sc_vector_subcore>, window_params = [{transform_indices = #map}, {transform_indices = #map}, {transform_indices = #map}, {transform_indices = #map1}]} {
    %mul3A = arith.constant 2 : i32
    %mul3A_0 = arith.muli %arg1, %mul3A : i32
    %add3A = arith.addi %mul3A_0, %arg0 : i32
    %mul3A_1 = arith.constant 640 : i32
    %mul3A_2 = arith.muli %arg1, %mul3A_1 : i32
    "tpu.region"() ({
      %run_scoped3A = tpu.sem_alloc : memref<!tpu.dma_semaphore, #tpu.memory_space<semaphore_mem>>
      %dma_start3A = arith.constant 0 : i32
      %dma_start3A_9 = tpu.memref_slice %arg8[%mul3A_2, %dma_start3A] : memref<10240x144xf32, #tpu.memory_space<vmem_shared>> -> memref<640x144xf32, #tpu.memory_space<vmem_shared>>
      %dma_start3A_10 = arith.constant 0 : i32
      %dma_start3A_11 = tpu.memref_slice %arg4[%mul3A_2, %dma_start3A_10] : memref<10240x144xf32, #tpu.memory_space<hbm>> -> memref<640x144xf32, #tpu.memory_space<hbm>>
      tpu.enqueue_dma source(%dma_start3A_11 : memref<640x144xf32, #tpu.memory_space<hbm>>) target(%dma_start3A_9 : memref<640x144xf32, #tpu.memory_space<vmem_shared>>) target_semaphore(%run_scoped3A : memref<!tpu.dma_semaphore, #tpu.memory_space<semaphore_mem>>)
      %dma_wait3A = arith.constant 0 : i32
      %dma_wait3A_12 = tpu.memref_slice %arg8[%mul3A_2, %dma_wait3A] : memref<10240x144xf32, #tpu.memory_space<vmem_shared>> -> memref<640x144xf32, #tpu.memory_space<vmem_shared>>
      %dma_wait3A_13 = arith.constant 0 : i32
      %dma_wait3A_14 = tpu.memref_slice %arg4[%mul3A_2, %dma_wait3A_13] : memref<10240x144xf32, #tpu.memory_space<hbm>> -> memref<640x144xf32, #tpu.memory_space<hbm>>
      tpu.wait_dma2 semaphore(%run_scoped3A : memref<!tpu.dma_semaphore, #tpu.memory_space<semaphore_mem>>) src(%dma_wait3A_14 : memref<640x144xf32, #tpu.memory_space<hbm>>) dst(%dma_wait3A_12 : memref<640x144xf32, #tpu.memory_space<vmem_shared>>)
      tpu.yield
    }) : () -> ()
    %barrier3A = arith.constant 0 : index
    tpu.barrier barrier_id(%barrier3A)
    %scan3A = arith.constant 0 : i32
    %scan3A_3 = arith.constant 0 : i32
    %scan3A_4 = arith.constant 40 : i32
    %scan3A_5 = arith.addi %scan3A_3, %scan3A_4 : i32
    %scan3A_6 = arith.constant 1 : i32
    scf.for %scan3A_9 = %scan3A_3 to %scan3A_5 step %scan3A_6  : i32 {
      %mul3A_10 = arith.constant 80 : i32
      %mul3A_11 = arith.muli %add3A, %mul3A_10 : i32
      %mul3A_12 = arith.constant 2 : i32
      %mul3A_13 = arith.muli %scan3A_9, %mul3A_12 : i32
      %add3A_14 = arith.addi %mul3A_11, %mul3A_13 : i32
      "tpu.region"() ({
        %run_scoped3A = tpu.sem_alloc : memref<!tpu.dma_semaphore, #tpu.memory_space<semaphore_mem>>
        %dma_start3A_55 = arith.constant 0 : i32
        %dma_start3A_56 = tpu.memref_slice %arg3[%add3A_14, %dma_start3A_55] : memref<2560x128xi32, #tpu.memory_space<hbm>> -> memref<2x128xi32, #tpu.memory_space<hbm>>
        %dma_start3A_57 = arith.constant 0 : i32
        %dma_start3A_58 = tpu.memref_slice %arg3[%add3A_14, %dma_start3A_57] : memref<2560x128xi32, #tpu.memory_space<hbm>> -> memref<2x128xi32, #tpu.memory_space<hbm>>
        tpu.enqueue_dma source(%dma_start3A_58 : memref<2x128xi32, #tpu.memory_space<hbm>>) target(%arg6 : memref<2x128xi32, #tpu.memory_space<vmem>>) target_semaphore(%run_scoped3A : memref<!tpu.dma_semaphore, #tpu.memory_space<semaphore_mem>>)
        %dma_wait3A_59 = arith.constant 0 : i32
        %dma_wait3A_60 = tpu.memref_slice %arg3[%add3A_14, %dma_wait3A_59] : memref<2560x128xi32, #tpu.memory_space<hbm>> -> memref<2x128xi32, #tpu.memory_space<hbm>>
        %dma_wait3A_61 = arith.constant 0 : i32
        %dma_wait3A_62 = tpu.memref_slice %arg3[%add3A_14, %dma_wait3A_61] : memref<2560x128xi32, #tpu.memory_space<hbm>> -> memref<2x128xi32, #tpu.memory_space<hbm>>
        tpu.wait_dma2 semaphore(%run_scoped3A : memref<!tpu.dma_semaphore, #tpu.memory_space<semaphore_mem>>) src(%dma_wait3A_62 : memref<2x128xi32, #tpu.memory_space<hbm>>) dst(%arg6 : memref<2x128xi32, #tpu.memory_space<vmem>>)
        tpu.yield
      }) : () -> ()
      %mul3A_15 = arith.constant 128 : i32
      %mul3A_16 = arith.muli %add3A_14, %mul3A_15 : i32
      "tpu.region"() ({
        %run_scoped3A = tpu.sem_alloc : memref<!tpu.dma_semaphore, #tpu.memory_space<semaphore_mem>>
        %dma_start3A_55 = arith.constant 0 : i32
        %dma_start3A_56 = tpu.memref_slice %arg2[%mul3A_16, %dma_start3A_55] : memref<327680x144xf32, #tpu.memory_space<hbm>> -> memref<256x144xf32, #tpu.memory_space<hbm>>
        %dma_start3A_57 = arith.constant 0 : i32
        %dma_start3A_58 = tpu.memref_slice %arg2[%mul3A_16, %dma_start3A_57] : memref<327680x144xf32, #tpu.memory_space<hbm>> -> memref<256x144xf32, #tpu.memory_space<hbm>>
        tpu.enqueue_dma source(%dma_start3A_58 : memref<256x144xf32, #tpu.memory_space<hbm>>) target(%arg7 : memref<256x144xf32, #tpu.memory_space<vmem>>) target_semaphore(%run_scoped3A : memref<!tpu.dma_semaphore, #tpu.memory_space<semaphore_mem>>)
        %dma_wait3A_59 = arith.constant 0 : i32
        %dma_wait3A_60 = tpu.memref_slice %arg2[%mul3A_16, %dma_wait3A_59] : memref<327680x144xf32, #tpu.memory_space<hbm>> -> memref<256x144xf32, #tpu.memory_space<hbm>>
        %dma_wait3A_61 = arith.constant 0 : i32
        %dma_wait3A_62 = tpu.memref_slice %arg2[%mul3A_16, %dma_wait3A_61] : memref<327680x144xf32, #tpu.memory_space<hbm>> -> memref<256x144xf32, #tpu.memory_space<hbm>>
        tpu.wait_dma2 semaphore(%run_scoped3A : memref<!tpu.dma_semaphore, #tpu.memory_space<semaphore_mem>>) src(%dma_wait3A_62 : memref<256x144xf32, #tpu.memory_space<hbm>>) dst(%arg7 : memref<256x144xf32, #tpu.memory_space<vmem>>)
        tpu.yield
      }) : () -> ()
      %dma_start3A = arith.constant 0 : i32
      %dma_start3A_17 = arith.constant 0 : i32
      %dma_start3A_18 = arith.constant 0 : i32
      %dma_start3A_19 = tpu.memref_slice %arg7[%dma_start3A_17, %dma_start3A_18] : memref<256x144xf32, #tpu.memory_space<vmem>> -> memref<128x144xf32, #tpu.memory_space<vmem>>
      %dma_start3A_20 = arith.constant 0 : i32
      %dma_start3A_21 = tpu.memref_slice %arg6[%dma_start3A, %dma_start3A_20] : memref<2x128xi32, #tpu.memory_space<vmem>> -> memref<1x128xi32, #tpu.memory_space<vmem>>
      %dma_start3A_22 = tpu.memref_squeeze %dma_start3A_21 : memref<1x128xi32, #tpu.memory_space<vmem>> -> memref<128xi32, #tpu.memory_space<vmem>>
      %dma_start3A_23 = arith.constant 0 : i32
      %dma_start3A_24 = arith.constant 0 : i32
      %dma_start3A_25 = tpu.memref_slice %arg8[%dma_start3A_23, %dma_start3A_24] : memref<10240x144xf32, #tpu.memory_space<vmem_shared>> -> memref<10240x144xf32, #tpu.memory_space<vmem_shared>>
      tpu.enqueue_indirect_dma source(%dma_start3A_19 : memref<128x144xf32, #tpu.memory_space<vmem>>) target(%dma_start3A_25 : memref<10240x144xf32, #tpu.memory_space<vmem_shared>>) offsets(%dma_start3A_22 : memref<128xi32, #tpu.memory_space<vmem>>) semaphore(%arg9 : memref<!tpu.dma_semaphore, #tpu.memory_space<semaphore_mem>>) {add = true}
      %dma_start3A_26 = arith.constant 1 : i32
      %dma_start3A_27 = arith.constant 128 : i32
      %dma_start3A_28 = arith.constant 0 : i32
      %dma_start3A_29 = tpu.memref_slice %arg7[%dma_start3A_27, %dma_start3A_28] : memref<256x144xf32, #tpu.memory_space<vmem>> -> memref<128x144xf32, #tpu.memory_space<vmem>>
      %dma_start3A_30 = arith.constant 0 : i32
      %dma_start3A_31 = tpu.memref_slice %arg6[%dma_start3A_26, %dma_start3A_30] : memref<2x128xi32, #tpu.memory_space<vmem>> -> memref<1x128xi32, #tpu.memory_space<vmem>>
      %dma_start3A_32 = tpu.memref_squeeze %dma_start3A_31 : memref<1x128xi32, #tpu.memory_space<vmem>> -> memref<128xi32, #tpu.memory_space<vmem>>
      %dma_start3A_33 = arith.constant 0 : i32
      %dma_start3A_34 = arith.constant 0 : i32
      %dma_start3A_35 = tpu.memref_slice %arg8[%dma_start3A_33, %dma_start3A_34] : memref<10240x144xf32, #tpu.memory_space<vmem_shared>> -> memref<10240x144xf32, #tpu.memory_space<vmem_shared>>
      tpu.enqueue_indirect_dma source(%dma_start3A_29 : memref<128x144xf32, #tpu.memory_space<vmem>>) target(%dma_start3A_35 : memref<10240x144xf32, #tpu.memory_space<vmem_shared>>) offsets(%dma_start3A_32 : memref<128xi32, #tpu.memory_space<vmem>>) semaphore(%arg9 : memref<!tpu.dma_semaphore, #tpu.memory_space<semaphore_mem>>) {add = true}
      %dma_wait3A = arith.constant 0 : i32
      %dma_wait3A_36 = arith.constant 0 : i32
      %dma_wait3A_37 = arith.constant 0 : i32
      %dma_wait3A_38 = tpu.memref_slice %arg7[%dma_wait3A_36, %dma_wait3A_37] : memref<256x144xf32, #tpu.memory_space<vmem>> -> memref<128x144xf32, #tpu.memory_space<vmem>>
      %dma_wait3A_39 = arith.constant 0 : i32
      %dma_wait3A_40 = tpu.memref_slice %arg6[%dma_wait3A, %dma_wait3A_39] : memref<2x128xi32, #tpu.memory_space<vmem>> -> memref<1x128xi32, #tpu.memory_space<vmem>>
      %dma_wait3A_41 = tpu.memref_squeeze %dma_wait3A_40 : memref<1x128xi32, #tpu.memory_space<vmem>> -> memref<128xi32, #tpu.memory_space<vmem>>
      %dma_wait3A_42 = arith.constant 0 : i32
      %dma_wait3A_43 = arith.constant 0 : i32
      %dma_wait3A_44 = tpu.memref_slice %arg8[%dma_wait3A_42, %dma_wait3A_43] : memref<10240x144xf32, #tpu.memory_space<vmem_shared>> -> memref<10240x144xf32, #tpu.memory_space<vmem_shared>>
      tpu.wait_indirect_dma semaphore(%arg9 : memref<!tpu.dma_semaphore, #tpu.memory_space<semaphore_mem>>) src(%dma_wait3A_38 : memref<128x144xf32, #tpu.memory_space<vmem>>) dst(%dma_wait3A_44 : memref<10240x144xf32, #tpu.memory_space<vmem_shared>>)
      %dma_wait3A_45 = arith.constant 1 : i32
      %dma_wait3A_46 = arith.constant 128 : i32
      %dma_wait3A_47 = arith.constant 0 : i32
      %dma_wait3A_48 = tpu.memref_slice %arg7[%dma_wait3A_46, %dma_wait3A_47] : memref<256x144xf32, #tpu.memory_space<vmem>> -> memref<128x144xf32, #tpu.memory_space<vmem>>
      %dma_wait3A_49 = arith.constant 0 : i32
      %dma_wait3A_50 = tpu.memref_slice %arg6[%dma_wait3A_45, %dma_wait3A_49] : memref<2x128xi32, #tpu.memory_space<vmem>> -> memref<1x128xi32, #tpu.memory_space<vmem>>
      %dma_wait3A_51 = tpu.memref_squeeze %dma_wait3A_50 : memref<1x128xi32, #tpu.memory_space<vmem>> -> memref<128xi32, #tpu.memory_space<vmem>>
      %dma_wait3A_52 = arith.constant 0 : i32
      %dma_wait3A_53 = arith.constant 0 : i32
      %dma_wait3A_54 = tpu.memref_slice %arg8[%dma_wait3A_52, %dma_wait3A_53] : memref<10240x144xf32, #tpu.memory_space<vmem_shared>> -> memref<10240x144xf32, #tpu.memory_space<vmem_shared>>
      tpu.wait_indirect_dma semaphore(%arg9 : memref<!tpu.dma_semaphore, #tpu.memory_space<semaphore_mem>>) src(%dma_wait3A_48 : memref<128x144xf32, #tpu.memory_space<vmem>>) dst(%dma_wait3A_54 : memref<10240x144xf32, #tpu.memory_space<vmem_shared>>)
    }
    %scan3A_7 = arith.constant 40 : i32
    %barrier3A_8 = arith.constant 0 : index
    tpu.barrier barrier_id(%barrier3A_8)
    "tpu.region"() ({
      %run_scoped3A = tpu.sem_alloc : memref<!tpu.dma_semaphore, #tpu.memory_space<semaphore_mem>>
      %dma_start3A = arith.constant 0 : i32
      %dma_start3A_9 = tpu.memref_slice %arg5[%arg0, %mul3A_2, %dma_start3A] : memref<2x10240x144xf32, #tpu.memory_space<hbm>> -> memref<1x640x144xf32, #tpu.memory_space<hbm>>
      %dma_start3A_10 = tpu.memref_squeeze %dma_start3A_9 : memref<1x640x144xf32, #tpu.memory_space<hbm>> -> memref<640x144xf32, #tpu.memory_space<hbm>>
      %dma_start3A_11 = arith.constant 0 : i32
      %dma_start3A_12 = tpu.memref_slice %arg8[%mul3A_2, %dma_start3A_11] : memref<10240x144xf32, #tpu.memory_space<vmem_shared>> -> memref<640x144xf32, #tpu.memory_space<vmem_shared>>
      tpu.enqueue_dma source(%dma_start3A_12 : memref<640x144xf32, #tpu.memory_space<vmem_shared>>) target(%dma_start3A_10 : memref<640x144xf32, #tpu.memory_space<hbm>>) target_semaphore(%run_scoped3A : memref<!tpu.dma_semaphore, #tpu.memory_space<semaphore_mem>>)
      %dma_wait3A = arith.constant 0 : i32
      %dma_wait3A_13 = tpu.memref_slice %arg5[%arg0, %mul3A_2, %dma_wait3A] : memref<2x10240x144xf32, #tpu.memory_space<hbm>> -> memref<1x640x144xf32, #tpu.memory_space<hbm>>
      %dma_wait3A_14 = tpu.memref_squeeze %dma_wait3A_13 : memref<1x640x144xf32, #tpu.memory_space<hbm>> -> memref<640x144xf32, #tpu.memory_space<hbm>>
      %dma_wait3A_15 = arith.constant 0 : i32
      %dma_wait3A_16 = tpu.memref_slice %arg8[%mul3A_2, %dma_wait3A_15] : memref<10240x144xf32, #tpu.memory_space<vmem_shared>> -> memref<640x144xf32, #tpu.memory_space<vmem_shared>>
      tpu.wait_dma2 semaphore(%run_scoped3A : memref<!tpu.dma_semaphore, #tpu.memory_space<semaphore_mem>>) src(%dma_wait3A_16 : memref<640x144xf32, #tpu.memory_space<vmem_shared>>) dst(%dma_wait3A_14 : memref<640x144xf32, #tpu.memory_space<hbm>>)
      tpu.yield
    }) : () -> ()
    return
  }
}

module attributes {stable_mosaic.version = 14 : i64} {
  func.func @_k1_body(%arg0: i32, %arg1: memref<400x128xf32, #tpu.memory_space<vmem>>, %arg2: memref<400x3xf32, #tpu.memory_space<vmem>>, %arg3: memref<128x128xf32, #tpu.memory_space<vmem>>, %arg4: memref<128x128xf32, #tpu.memory_space<vmem>>, %arg5: memref<1x128xf32, #tpu.memory_space<vmem>>, %arg6: memref<400x144xf32, #tpu.memory_space<vmem>>, %arg7: memref<400x144xf32, #tpu.memory_space<vmem>>) attributes {dimension_semantics = [#tpu.dimension_semantics<arbitrary>], iteration_bounds = array<i64: 25>, scalar_prefetch = 0 : i64, scratch_operands = 0 : i64, tpu.core_type = #tpu.core_type<tc>, window_params = [{transform_indices = @transform_0, window_bounds = array<i64: 400, 128>}, {transform_indices = @transform_1, window_bounds = array<i64: 400, 3>}, {pipeline_mode = #tpu.pipeline_mode<synchronous>, transform_indices = @transform_2, window_bounds = array<i64: 128, 128>}, {pipeline_mode = #tpu.pipeline_mode<synchronous>, transform_indices = @transform_3, window_bounds = array<i64: 128, 128>}, {pipeline_mode = #tpu.pipeline_mode<synchronous>, transform_indices = @transform_4, window_bounds = array<i64: 1, 128>}, {transform_indices = @transform_5, window_bounds = array<i64: 400, 144>}, {transform_indices = @transform_6, window_bounds = array<i64: 400, 144>}]} {
    %get3A = arith.constant 0 : index
    %get3A_0 = arith.constant 0 : index
    %get3A_1 = vector.load %arg1[%get3A, %get3A_0] : memref<400x128xf32, #tpu.memory_space<vmem>>, vector<400x128xf32>
    %get3A_2 = arith.constant 0 : index
    %get3A_3 = arith.constant 0 : index
    %get3A_4 = vector.load %arg2[%get3A_2, %get3A_3] : memref<400x3xf32, #tpu.memory_space<vmem>>, vector<400x3xf32>
    %broadcast_in_dim3A = arith.constant 0.000000e+00 : f32
    %broadcast_in_dim3A_5 = vector.broadcast %broadcast_in_dim3A : f32 to vector<400x13xf32>
    %get3A_6 = arith.constant 0 : index
    %get3A_7 = arith.constant 0 : index
    %get3A_8 = vector.load %arg3[%get3A_6, %get3A_7] : memref<128x128xf32, #tpu.memory_space<vmem>>, vector<128x128xf32>
    %dot_general3A = arith.constant dense<0.000000e+00> : vector<400x128xf32>
    %dot_general3A_9 = tpu.matmul %get3A_1, %get3A_8, %dot_general3A {dimension_numbers = #tpu.dot_dimension_numbers<[1], [0], [0], [1], [0, 0, 1, 1], [], []>, transpose_lhs_hint = false} : vector<400x128xf32>, vector<128x128xf32>, vector<400x128xf32> -> vector<400x128xf32>
    %get3A_10 = arith.constant 0 : index
    %get3A_11 = arith.constant 0 : index
    %get3A_12 = vector.load %arg5[%get3A_10, %get3A_11] : memref<1x128xf32, #tpu.memory_space<vmem>>, vector<1x128xf32>
    %add3A = vector.broadcast %get3A_12 : vector<1x128xf32> to vector<400x128xf32>
    %add3A_13 = arith.addf %dot_general3A_9, %add3A : vector<400x128xf32>
    %get3A_14 = arith.constant 0 : index
    %get3A_15 = arith.constant 0 : index
    %get3A_16 = vector.load %arg4[%get3A_14, %get3A_15] : memref<128x128xf32, #tpu.memory_space<vmem>>, vector<128x128xf32>
    %dot_general3A_17 = arith.constant dense<0.000000e+00> : vector<400x128xf32>
    %dot_general3A_18 = tpu.matmul %get3A_1, %get3A_16, %dot_general3A_17 {dimension_numbers = #tpu.dot_dimension_numbers<[1], [0], [0], [1], [0, 0, 1, 1], [], []>, transpose_lhs_hint = false} : vector<400x128xf32>, vector<128x128xf32>, vector<400x128xf32> -> vector<400x128xf32>
    %concatenate3A = tpu.concatenate %add3A_13, %get3A_4, %broadcast_in_dim3A_5 in 1 : vector<400x128xf32>, vector<400x3xf32>, vector<400x13xf32> -> vector<400x144xf32>
    %swap3A = arith.constant 0 : index
    %swap3A_19 = arith.constant 0 : index
    %swap3A_20 = vector.load %arg6[%swap3A, %swap3A_19] : memref<400x144xf32, #tpu.memory_space<vmem>>, vector<400x144xf32>
    tpu.vector_store %arg6[%swap3A, %swap3A_19], %concatenate3A {strides = array<i32>} : memref<400x144xf32, #tpu.memory_space<vmem>>, vector<400x144xf32>,
    %neg3A = arith.constant 0.000000e+00 : f32
    %neg3A_21 = vector.broadcast %neg3A : f32 to vector<400x3xf32>
    %neg3A_22 = arith.subf %neg3A_21, %get3A_4 : vector<400x3xf32>
    %concatenate3A_23 = tpu.concatenate %dot_general3A_18, %neg3A_22, %broadcast_in_dim3A_5 in 1 : vector<400x128xf32>, vector<400x3xf32>, vector<400x13xf32> -> vector<400x144xf32>
    %swap3A_24 = arith.constant 0 : index
    %swap3A_25 = arith.constant 0 : index
    %swap3A_26 = vector.load %arg7[%swap3A_24, %swap3A_25] : memref<400x144xf32, #tpu.memory_space<vmem>>, vector<400x144xf32>
    tpu.vector_store %arg7[%swap3A_24, %swap3A_25], %concatenate3A_23 {strides = array<i32>} : memref<400x144xf32, #tpu.memory_space<vmem>>, vector<400x144xf32>,
    return
  }
  func.func @transform_0(%arg0: i32) -> (i32, i32) {
    %c0_i32 = arith.constant 0 : i32
    %c0_i32_0 = arith.constant 0 : i32
    return %arg0, %c0_i32 : i32, i32
  }
  func.func @transform_1(%arg0: i32) -> (i32, i32) {
    %c0_i32 = arith.constant 0 : i32
    %c0_i32_0 = arith.constant 0 : i32
    return %arg0, %c0_i32 : i32, i32
  }
  func.func @transform_2(%arg0: i32) -> (i32, i32) {
    %c0_i32 = arith.constant 0 : i32
    %c0_i32_0 = arith.constant 0 : i32
    %c0_i32_1 = arith.constant 0 : i32
    return %c0_i32, %c0_i32_0 : i32, i32
  }
  func.func @transform_3(%arg0: i32) -> (i32, i32) {
    %c0_i32 = arith.constant 0 : i32
    %c0_i32_0 = arith.constant 0 : i32
    %c0_i32_1 = arith.constant 0 : i32
    return %c0_i32, %c0_i32_0 : i32, i32
  }
  func.func @transform_4(%arg0: i32) -> (i32, i32) {
    %c0_i32 = arith.constant 0 : i32
    %c0_i32_0 = arith.constant 0 : i32
    %c0_i32_1 = arith.constant 0 : i32
    return %c0_i32, %c0_i32_0 : i32, i32
  }
  func.func @transform_5(%arg0: i32) -> (i32, i32) {
    %c0_i32 = arith.constant 0 : i32
    %c0_i32_0 = arith.constant 0 : i32
    return %arg0, %c0_i32 : i32, i32
  }
  func.func @transform_6(%arg0: i32) -> (i32, i32) {
    %c0_i32 = arith.constant 0 : i32
    %c0_i32_0 = arith.constant 0 : i32
    return %arg0, %c0_i32 : i32, i32
  }
}

module attributes {stable_mosaic.version = 14 : i64} {
  func.func @_k2_body(%arg0: i32, %arg1: memref<2048x144xf32, #tpu.memory_space<vmem>>, %arg2: memref<1x128xf32, #tpu.memory_space<vmem>>, %arg3: memref<128x128xf32, #tpu.memory_space<vmem>>, %arg4: memref<1x128xf32, #tpu.memory_space<vmem>>, %arg5: memref<128x128xf32, #tpu.memory_space<vmem>>, %arg6: memref<1x128xf32, #tpu.memory_space<vmem>>, %arg7: memref<128x1xf32, #tpu.memory_space<vmem>>, %arg8: memref<2048x144xf32, #tpu.memory_space<vmem>>) attributes {dimension_semantics = [#tpu.dimension_semantics<arbitrary>], iteration_bounds = array<i64: 160>, scalar_prefetch = 0 : i64, scratch_operands = 0 : i64, tpu.core_type = #tpu.core_type<tc>, window_params = [{transform_indices = @transform_0, window_bounds = array<i64: 2048, 144>}, {pipeline_mode = #tpu.pipeline_mode<synchronous>, transform_indices = @transform_1, window_bounds = array<i64: 1, 128>}, {pipeline_mode = #tpu.pipeline_mode<synchronous>, transform_indices = @transform_2, window_bounds = array<i64: 128, 128>}, {pipeline_mode = #tpu.pipeline_mode<synchronous>, transform_indices = @transform_3, window_bounds = array<i64: 1, 128>}, {pipeline_mode = #tpu.pipeline_mode<synchronous>, transform_indices = @transform_4, window_bounds = array<i64: 128, 128>}, {pipeline_mode = #tpu.pipeline_mode<synchronous>, transform_indices = @transform_5, window_bounds = array<i64: 1, 128>}, {pipeline_mode = #tpu.pipeline_mode<synchronous>, transform_indices = @transform_6, window_bounds = array<i64: 128, 1>}, {transform_indices = @transform_7, window_bounds = array<i64: 2048, 144>}]} {
    %get3A = arith.constant 0 : index
    %get3A_0 = arith.constant 0 : index
    %get3A_1 = vector.load %arg1[%get3A, %get3A_0] : memref<2048x144xf32, #tpu.memory_space<vmem>>, vector<2048x144xf32>
    %slice3A = vector.extract_strided_slice %get3A_1 {offsets = [0, 0], sizes = [2048, 128], strides = [1, 1]} : vector<2048x144xf32> to vector<2048x128xf32>
    %slice3A_2 = vector.extract_strided_slice %get3A_1 {offsets = [0, 128], sizes = [2048, 3], strides = [1, 1]} : vector<2048x144xf32> to vector<2048x3xf32>
    %mul3A = arith.mulf %slice3A_2, %slice3A_2 : vector<2048x3xf32>
    %reduce_sum3A = arith.constant dense<0.000000e+00> : vector<2048xf32>
    %reduce_sum3A_3 = vector.multi_reduction <add>, %mul3A, %reduce_sum3A [1] : vector<2048x3xf32> to vector<2048xf32>
    %broadcast_in_dim3A = vector.shape_cast %reduce_sum3A_3 : vector<2048xf32> to vector<2048x1xf32>
    %get3A_4 = arith.constant 0 : index
    %get3A_5 = arith.constant 0 : index
    %get3A_6 = vector.load %arg2[%get3A_4, %get3A_5] : memref<1x128xf32, #tpu.memory_space<vmem>>, vector<1x128xf32>
    %mul3A_7 = vector.broadcast %broadcast_in_dim3A : vector<2048x1xf32> to vector<2048x128xf32>
    %mul3A_8 = vector.broadcast %get3A_6 : vector<1x128xf32> to vector<2048x128xf32>
    %mul3A_9 = arith.mulf %mul3A_7, %mul3A_8 : vector<2048x128xf32>
    %add3A = arith.addf %slice3A, %mul3A_9 : vector<2048x128xf32>
    %logistic3A = arith.negf %add3A : vector<2048x128xf32>
    %logistic3A_10 = math.exp %logistic3A : vector<2048x128xf32>
    %logistic3A_11 = arith.constant 1.000000e+00 : f32
    %logistic3A_12 = vector.broadcast %logistic3A_11 : f32 to vector<2048x128xf32>
    %logistic3A_13 = arith.addf %logistic3A_12, %logistic3A_10 : vector<2048x128xf32>
    %logistic3A_14 = arith.divf %logistic3A_12, %logistic3A_13 : vector<2048x128xf32>
    %mul3A_15 = arith.mulf %add3A, %logistic3A_14 : vector<2048x128xf32>
    %get3A_16 = arith.constant 0 : index
    %get3A_17 = arith.constant 0 : index
    %get3A_18 = vector.load %arg3[%get3A_16, %get3A_17] : memref<128x128xf32, #tpu.memory_space<vmem>>, vector<128x128xf32>
    %dot_general3A = arith.constant dense<0.000000e+00> : vector<2048x128xf32>
    %dot_general3A_19 = tpu.matmul %mul3A_15, %get3A_18, %dot_general3A {dimension_numbers = #tpu.dot_dimension_numbers<[1], [0], [0], [1], [0, 0, 1, 1], [], []>, transpose_lhs_hint = false} : vector<2048x128xf32>, vector<128x128xf32>, vector<2048x128xf32> -> vector<2048x128xf32>
    %get3A_20 = arith.constant 0 : index
    %get3A_21 = arith.constant 0 : index
    %get3A_22 = vector.load %arg4[%get3A_20, %get3A_21] : memref<1x128xf32, #tpu.memory_space<vmem>>, vector<1x128xf32>
    %add3A_23 = vector.broadcast %get3A_22 : vector<1x128xf32> to vector<2048x128xf32>
    %add3A_24 = arith.addf %dot_general3A_19, %add3A_23 : vector<2048x128xf32>
    %logistic3A_25 = arith.negf %add3A_24 : vector<2048x128xf32>
    %logistic3A_26 = math.exp %logistic3A_25 : vector<2048x128xf32>
    %logistic3A_27 = arith.constant 1.000000e+00 : f32
    %logistic3A_28 = vector.broadcast %logistic3A_27 : f32 to vector<2048x128xf32>
    %logistic3A_29 = arith.addf %logistic3A_28, %logistic3A_26 : vector<2048x128xf32>
    %logistic3A_30 = arith.divf %logistic3A_28, %logistic3A_29 : vector<2048x128xf32>
    %mul3A_31 = arith.mulf %add3A_24, %logistic3A_30 : vector<2048x128xf32>
    %get3A_32 = arith.constant 0 : index
    %get3A_33 = arith.constant 0 : index
    %get3A_34 = vector.load %arg5[%get3A_32, %get3A_33] : memref<128x128xf32, #tpu.memory_space<vmem>>, vector<128x128xf32>
    %dot_general3A_35 = arith.constant dense<0.000000e+00> : vector<2048x128xf32>
    %dot_general3A_36 = tpu.matmul %mul3A_31, %get3A_34, %dot_general3A_35 {dimension_numbers = #tpu.dot_dimension_numbers<[1], [0], [0], [1], [0, 0, 1, 1], [], []>, transpose_lhs_hint = false} : vector<2048x128xf32>, vector<128x128xf32>, vector<2048x128xf32> -> vector<2048x128xf32>
    %get3A_37 = arith.constant 0 : index
    %get3A_38 = arith.constant 0 : index
    %get3A_39 = vector.load %arg6[%get3A_37, %get3A_38] : memref<1x128xf32, #tpu.memory_space<vmem>>, vector<1x128xf32>
    %add3A_40 = vector.broadcast %get3A_39 : vector<1x128xf32> to vector<2048x128xf32>
    %add3A_41 = arith.addf %dot_general3A_36, %add3A_40 : vector<2048x128xf32>
    %logistic3A_42 = arith.negf %add3A_41 : vector<2048x128xf32>
    %logistic3A_43 = math.exp %logistic3A_42 : vector<2048x128xf32>
    %logistic3A_44 = arith.constant 1.000000e+00 : f32
    %logistic3A_45 = vector.broadcast %logistic3A_44 : f32 to vector<2048x128xf32>
    %logistic3A_46 = arith.addf %logistic3A_45, %logistic3A_43 : vector<2048x128xf32>
    %logistic3A_47 = arith.divf %logistic3A_45, %logistic3A_46 : vector<2048x128xf32>
    %mul3A_48 = arith.mulf %add3A_41, %logistic3A_47 : vector<2048x128xf32>
    %get3A_49 = arith.constant 0 : index
    %get3A_50 = arith.constant 0 : index
    %get3A_51 = vector.load %arg7[%get3A_49, %get3A_50] : memref<128x1xf32, #tpu.memory_space<vmem>>, vector<128x1xf32>
    %dot_general3A_52 = arith.constant dense<0.000000e+00> : vector<2048x1xf32>
    %dot_general3A_53 = tpu.matmul %mul3A_48, %get3A_51, %dot_general3A_52 {dimension_numbers = #tpu.dot_dimension_numbers<[1], [0], [0], [1], [0, 0, 1, 1], [], []>, transpose_lhs_hint = false} : vector<2048x128xf32>, vector<128x1xf32>, vector<2048x1xf32> -> vector<2048x1xf32>
    %mul3A_54 = vector.broadcast %dot_general3A_53 : vector<2048x1xf32> to vector<2048x3xf32>
    %mul3A_55 = arith.mulf %slice3A_2, %mul3A_54 : vector<2048x3xf32>
    %broadcast_in_dim3A_56 = arith.constant 1.000000e+00 : f32
    %broadcast_in_dim3A_57 = vector.broadcast %broadcast_in_dim3A_56 : f32 to vector<2048x1xf32>
    %broadcast_in_dim3A_58 = arith.constant 0.000000e+00 : f32
    %broadcast_in_dim3A_59 = vector.broadcast %broadcast_in_dim3A_58 : f32 to vector<2048x12xf32>
    %concatenate3A = tpu.concatenate %mul3A_31, %mul3A_55, %broadcast_in_dim3A_57, %broadcast_in_dim3A_59 in 1 : vector<2048x128xf32>, vector<2048x3xf32>, vector<2048x1xf32>, vector<2048x12xf32> -> vector<2048x144xf32>
    %swap3A = arith.constant 0 : index
    %swap3A_60 = arith.constant 0 : index
    %swap3A_61 = vector.load %arg8[%swap3A, %swap3A_60] : memref<2048x144xf32, #tpu.memory_space<vmem>>, vector<2048x144xf32>
    tpu.vector_store %arg8[%swap3A, %swap3A_60], %concatenate3A {strides = array<i32>} : memref<2048x144xf32, #tpu.memory_space<vmem>>, vector<2048x144xf32>,
    return
  }
  func.func @transform_0(%arg0: i32) -> (i32, i32) {
    %c0_i32 = arith.constant 0 : i32
    %c0_i32_0 = arith.constant 0 : i32
    return %arg0, %c0_i32 : i32, i32
  }
  func.func @transform_1(%arg0: i32) -> (i32, i32) {
    %c0_i32 = arith.constant 0 : i32
    %c0_i32_0 = arith.constant 0 : i32
    %c0_i32_1 = arith.constant 0 : i32
    return %c0_i32, %c0_i32_0 : i32, i32
  }
  func.func @transform_2(%arg0: i32) -> (i32, i32) {
    %c0_i32 = arith.constant 0 : i32
    %c0_i32_0 = arith.constant 0 : i32
    %c0_i32_1 = arith.constant 0 : i32
    return %c0_i32, %c0_i32_0 : i32, i32
  }
  func.func @transform_3(%arg0: i32) -> (i32, i32) {
    %c0_i32 = arith.constant 0 : i32
    %c0_i32_0 = arith.constant 0 : i32
    %c0_i32_1 = arith.constant 0 : i32
    return %c0_i32, %c0_i32_0 : i32, i32
  }
  func.func @transform_4(%arg0: i32) -> (i32, i32) {
    %c0_i32 = arith.constant 0 : i32
    %c0_i32_0 = arith.constant 0 : i32
    %c0_i32_1 = arith.constant 0 : i32
    return %c0_i32, %c0_i32_0 : i32, i32
  }
  func.func @transform_5(%arg0: i32) -> (i32, i32) {
    %c0_i32 = arith.constant 0 : i32
    %c0_i32_0 = arith.constant 0 : i32
    %c0_i32_1 = arith.constant 0 : i32
    return %c0_i32, %c0_i32_0 : i32, i32
  }
  func.func @transform_6(%arg0: i32) -> (i32, i32) {
    %c0_i32 = arith.constant 0 : i32
    %c0_i32_0 = arith.constant 0 : i32
    %c0_i32_1 = arith.constant 0 : i32
    return %c0_i32, %c0_i32_0 : i32, i32
  }
  func.func @transform_7(%arg0: i32) -> (i32, i32) {
    %c0_i32 = arith.constant 0 : i32
    %c0_i32_0 = arith.constant 0 : i32
    return %arg0, %c0_i32 : i32, i32
  }
}

module attributes {stable_mosaic.version = 14 : i64} {
  func.func @_k5_body(%arg0: i32, %arg1: memref<400x128xf32, #tpu.memory_space<vmem>>, %arg2: memref<400x3xf32, #tpu.memory_space<vmem>>, %arg3: memref<400x144xf32, #tpu.memory_space<vmem>>, %arg4: memref<400x144xf32, #tpu.memory_space<vmem>>, %arg5: memref<400x144xf32, #tpu.memory_space<vmem>>, %arg6: memref<400x144xf32, #tpu.memory_space<vmem>>, %arg7: memref<128x128xf32, #tpu.memory_space<vmem>>, %arg8: memref<128x128xf32, #tpu.memory_space<vmem>>, %arg9: memref<1x128xf32, #tpu.memory_space<vmem>>, %arg10: memref<128x128xf32, #tpu.memory_space<vmem>>, %arg11: memref<1x128xf32, #tpu.memory_space<vmem>>, %arg12: memref<400x128xf32, #tpu.memory_space<vmem>>, %arg13: memref<400x3xf32, #tpu.memory_space<vmem>>) attributes {dimension_semantics = [#tpu.dimension_semantics<arbitrary>], iteration_bounds = array<i64: 25>, scalar_prefetch = 0 : i64, scratch_operands = 0 : i64, tpu.core_type = #tpu.core_type<tc>, window_params = [{transform_indices = @transform_0, window_bounds = array<i64: 400, 128>}, {transform_indices = @transform_1, window_bounds = array<i64: 400, 3>}, {transform_indices = @transform_2, window_bounds = array<i64: 400, 144>}, {transform_indices = @transform_3, window_bounds = array<i64: 400, 144>}, {transform_indices = @transform_4, window_bounds = array<i64: 400, 144>}, {transform_indices = @transform_5, window_bounds = array<i64: 400, 144>}, {pipeline_mode = #tpu.pipeline_mode<synchronous>, transform_indices = @transform_6, window_bounds = array<i64: 128, 128>}, {pipeline_mode = #tpu.pipeline_mode<synchronous>, transform_indices = @transform_7, window_bounds = array<i64: 128, 128>}, {pipeline_mode = #tpu.pipeline_mode<synchronous>, transform_indices = @transform_8, window_bounds = array<i64: 1, 128>}, {pipeline_mode = #tpu.pipeline_mode<synchronous>, transform_indices = @transform_9, window_bounds = array<i64: 128, 128>}, {pipeline_mode = #tpu.pipeline_mode<synchronous>, transform_indices = @transform_10, window_bounds = array<i64: 1, 128>}, {transform_indices = @transform_11, window_bounds = array<i64: 400, 128>}, {transform_indices = @transform_12, window_bounds = array<i64: 400, 3>}]} {
    %get3A = arith.constant 0 : index
    %get3A_0 = arith.constant 0 : index
    %get3A_1 = vector.load %arg1[%get3A, %get3A_0] : memref<400x128xf32, #tpu.memory_space<vmem>>, vector<400x128xf32>
    %get3A_2 = arith.constant 0 : index
    %get3A_3 = arith.constant 0 : index
    %get3A_4 = vector.load %arg3[%get3A_2, %get3A_3] : memref<400x144xf32, #tpu.memory_space<vmem>>, vector<400x144xf32>
    %get3A_5 = arith.constant 0 : index
    %get3A_6 = arith.constant 0 : index
    %get3A_7 = vector.load %arg4[%get3A_5, %get3A_6] : memref<400x144xf32, #tpu.memory_space<vmem>>, vector<400x144xf32>
    %add3A = arith.addf %get3A_4, %get3A_7 : vector<400x144xf32>
    %get3A_8 = arith.constant 0 : index
    %get3A_9 = arith.constant 0 : index
    %get3A_10 = vector.load %arg5[%get3A_8, %get3A_9] : memref<400x144xf32, #tpu.memory_space<vmem>>, vector<400x144xf32>
    %get3A_11 = arith.constant 0 : index
    %get3A_12 = arith.constant 0 : index
    %get3A_13 = vector.load %arg6[%get3A_11, %get3A_12] : memref<400x144xf32, #tpu.memory_space<vmem>>, vector<400x144xf32>
    %add3A_14 = arith.addf %get3A_10, %get3A_13 : vector<400x144xf32>
    %add3A_15 = arith.addf %add3A, %add3A_14 : vector<400x144xf32>
    %slice3A = vector.extract_strided_slice %add3A_15 {offsets = [0, 0], sizes = [400, 128], strides = [1, 1]} : vector<400x144xf32> to vector<400x128xf32>
    %slice3A_16 = vector.extract_strided_slice %add3A_15 {offsets = [0, 128], sizes = [400, 3], strides = [1, 1]} : vector<400x144xf32> to vector<400x3xf32>
    %slice3A_17 = vector.extract_strided_slice %add3A_15 {offsets = [0, 131], sizes = [400, 1], strides = [1, 1]} : vector<400x144xf32> to vector<400x1xf32>
    %get3A_18 = arith.constant 0 : index
    %get3A_19 = arith.constant 0 : index
    %get3A_20 = vector.load %arg7[%get3A_18, %get3A_19] : memref<128x128xf32, #tpu.memory_space<vmem>>, vector<128x128xf32>
    %dot_general3A = arith.constant dense<0.000000e+00> : vector<400x128xf32>
    %dot_general3A_21 = tpu.matmul %get3A_1, %get3A_20, %dot_general3A {dimension_numbers = #tpu.dot_dimension_numbers<[1], [0], [0], [1], [0, 0, 1, 1], [], []>, transpose_lhs_hint = false} : vector<400x128xf32>, vector<128x128xf32>, vector<400x128xf32> -> vector<400x128xf32>
    %get3A_22 = arith.constant 0 : index
    %get3A_23 = arith.constant 0 : index
    %get3A_24 = vector.load %arg8[%get3A_22, %get3A_23] : memref<128x128xf32, #tpu.memory_space<vmem>>, vector<128x128xf32>
    %dot_general3A_25 = arith.constant dense<0.000000e+00> : vector<400x128xf32>
    %dot_general3A_26 = tpu.matmul %slice3A, %get3A_24, %dot_general3A_25 {dimension_numbers = #tpu.dot_dimension_numbers<[1], [0], [0], [1], [0, 0, 1, 1], [], []>, transpose_lhs_hint = false} : vector<400x128xf32>, vector<128x128xf32>, vector<400x128xf32> -> vector<400x128xf32>
    %add3A_27 = arith.addf %dot_general3A_21, %dot_general3A_26 : vector<400x128xf32>
    %get3A_28 = arith.constant 0 : index
    %get3A_29 = arith.constant 0 : index
    %get3A_30 = vector.load %arg9[%get3A_28, %get3A_29] : memref<1x128xf32, #tpu.memory_space<vmem>>, vector<1x128xf32>
    %add3A_31 = vector.broadcast %get3A_30 : vector<1x128xf32> to vector<400x128xf32>
    %add3A_32 = arith.addf %add3A_27, %add3A_31 : vector<400x128xf32>
    %logistic3A = arith.negf %add3A_32 : vector<400x128xf32>
    %logistic3A_33 = math.exp %logistic3A : vector<400x128xf32>
    %logistic3A_34 = arith.constant 1.000000e+00 : f32
    %logistic3A_35 = vector.broadcast %logistic3A_34 : f32 to vector<400x128xf32>
    %logistic3A_36 = arith.addf %logistic3A_35, %logistic3A_33 : vector<400x128xf32>
    %logistic3A_37 = arith.divf %logistic3A_35, %logistic3A_36 : vector<400x128xf32>
    %mul3A = arith.mulf %add3A_32, %logistic3A_37 : vector<400x128xf32>
    %get3A_38 = arith.constant 0 : index
    %get3A_39 = arith.constant 0 : index
    %get3A_40 = vector.load %arg10[%get3A_38, %get3A_39] : memref<128x128xf32, #tpu.memory_space<vmem>>, vector<128x128xf32>
    %dot_general3A_41 = arith.constant dense<0.000000e+00> : vector<400x128xf32>
    %dot_general3A_42 = tpu.matmul %mul3A, %get3A_40, %dot_general3A_41 {dimension_numbers = #tpu.dot_dimension_numbers<[1], [0], [0], [1], [0, 0, 1, 1], [], []>, transpose_lhs_hint = false} : vector<400x128xf32>, vector<128x128xf32>, vector<400x128xf32> -> vector<400x128xf32>
    %get3A_43 = arith.constant 0 : index
    %get3A_44 = arith.constant 0 : index
    %get3A_45 = vector.load %arg11[%get3A_43, %get3A_44] : memref<1x128xf32, #tpu.memory_space<vmem>>, vector<1x128xf32>
    %add3A_46 = vector.broadcast %get3A_45 : vector<1x128xf32> to vector<400x128xf32>
    %add3A_47 = arith.addf %dot_general3A_42, %add3A_46 : vector<400x128xf32>
    %add3A_48 = arith.addf %get3A_1, %add3A_47 : vector<400x128xf32>
    %swap3A = arith.constant 0 : index
    %swap3A_49 = arith.constant 0 : index
    %swap3A_50 = vector.load %arg12[%swap3A, %swap3A_49] : memref<400x128xf32, #tpu.memory_space<vmem>>, vector<400x128xf32>
    tpu.vector_store %arg12[%swap3A, %swap3A_49], %add3A_48 {strides = array<i32>} : memref<400x128xf32, #tpu.memory_space<vmem>>, vector<400x128xf32>,
    %get3A_51 = arith.constant 0 : index
    %get3A_52 = arith.constant 0 : index
    %get3A_53 = vector.load %arg2[%get3A_51, %get3A_52] : memref<400x3xf32, #tpu.memory_space<vmem>>, vector<400x3xf32>
    %max3A = arith.constant 1.000000e+00 : f32
    %max3A_54 = vector.broadcast %max3A : f32 to vector<400x1xf32>
    %max3A_55 = arith.maximumf %slice3A_17, %max3A_54 : vector<400x1xf32>
    %div3A = vector.broadcast %max3A_55 : vector<400x1xf32> to vector<400x3xf32>
    %div3A_56 = arith.divf %slice3A_16, %div3A : vector<400x3xf32>
    %add3A_57 = arith.addf %get3A_53, %div3A_56 : vector<400x3xf32>
    %swap3A_58 = arith.constant 0 : index
    %swap3A_59 = arith.constant 0 : index
    %swap3A_60 = vector.load %arg13[%swap3A_58, %swap3A_59] : memref<400x3xf32, #tpu.memory_space<vmem>>, vector<400x3xf32>
    tpu.vector_store %arg13[%swap3A_58, %swap3A_59], %add3A_57 {strides = array<i32>} : memref<400x3xf32, #tpu.memory_space<vmem>>, vector<400x3xf32>,
    return
  }
  func.func @transform_0(%arg0: i32) -> (i32, i32) {
    %c0_i32 = arith.constant 0 : i32
    %c0_i32_0 = arith.constant 0 : i32
    return %arg0, %c0_i32 : i32, i32
  }
  func.func @transform_1(%arg0: i32) -> (i32, i32) {
    %c0_i32 = arith.constant 0 : i32
    %c0_i32_0 = arith.constant 0 : i32
    return %arg0, %c0_i32 : i32, i32
  }
  func.func @transform_2(%arg0: i32) -> (i32, i32) {
    %c0_i32 = arith.constant 0 : i32
    %c0_i32_0 = arith.constant 0 : i32
    return %arg0, %c0_i32 : i32, i32
  }
  func.func @transform_3(%arg0: i32) -> (i32, i32) {
    %c0_i32 = arith.constant 0 : i32
    %c0_i32_0 = arith.constant 0 : i32
    return %arg0, %c0_i32 : i32, i32
  }
  func.func @transform_4(%arg0: i32) -> (i32, i32) {
    %c0_i32 = arith.constant 0 : i32
    %c0_i32_0 = arith.constant 0 : i32
    return %arg0, %c0_i32 : i32, i32
  }
  func.func @transform_5(%arg0: i32) -> (i32, i32) {
    %c0_i32 = arith.constant 0 : i32
    %c0_i32_0 = arith.constant 0 : i32
    return %arg0, %c0_i32 : i32, i32
  }
  func.func @transform_6(%arg0: i32) -> (i32, i32) {
    %c0_i32 = arith.constant 0 : i32
    %c0_i32_0 = arith.constant 0 : i32
    %c0_i32_1 = arith.constant 0 : i32
    return %c0_i32, %c0_i32_0 : i32, i32
  }
  func.func @transform_7(%arg0: i32) -> (i32, i32) {
    %c0_i32 = arith.constant 0 : i32
    %c0_i32_0 = arith.constant 0 : i32
    %c0_i32_1 = arith.constant 0 : i32
    return %c0_i32, %c0_i32_0 : i32, i32
  }
  func.func @transform_8(%arg0: i32) -> (i32, i32) {
    %c0_i32 = arith.constant 0 : i32
    %c0_i32_0 = arith.constant 0 : i32
    %c0_i32_1 = arith.constant 0 : i32
    return %c0_i32, %c0_i32_0 : i32, i32
  }
  func.func @transform_9(%arg0: i32) -> (i32, i32) {
    %c0_i32 = arith.constant 0 : i32
    %c0_i32_0 = arith.constant 0 : i32
    %c0_i32_1 = arith.constant 0 : i32
    return %c0_i32, %c0_i32_0 : i32, i32
  }
  func.func @transform_10(%arg0: i32) -> (i32, i32) {
    %c0_i32 = arith.constant 0 : i32
    %c0_i32_0 = arith.constant 0 : i32
    %c0_i32_1 = arith.constant 0 : i32
    return %c0_i32, %c0_i32_0 : i32, i32
  }
  func.func @transform_11(%arg0: i32) -> (i32, i32) {
    %c0_i32 = arith.constant 0 : i32
    %c0_i32_0 = arith.constant 0 : i32
    return %arg0, %c0_i32 : i32, i32
  }
  func.func @transform_12(%arg0: i32) -> (i32, i32) {
    %c0_i32 = arith.constant 0 : i32
    %c0_i32_0 = arith.constant 0 : i32
    return %arg0, %c0_i32 : i32, i32
  }
}

</mosaic_0001>

<sc_bundles>
// kernel: kernel.10.cloned.1.call-start
scs
__scs_entry_jumppad:
0x0: {  	(pc) =	sbr.rel $0x88, $3  }
0x1: {  	(tag) =	ssettag $0x0;
	lr =	simm.s32 $0x1  }
0x2: {  	[smem:$0x3F93] =	sst lr;
	_ =	strace $0xD0000000  }
0x3: {  	_ = 	snop  }
0x4: {  	_ = 	snop  }
0x5: {  	_ = 	snop  }
0x6: {  	_ = 	snop  }
0x7: {  	_ = 	snop  }
__scs_overlays_trampoline_lowered:
0x8: {  	[smem:$0x3FA2] =	sst s0  }
0x9: {  	[smem:$0x3FA3] =	sst s1  }
0xa: {  	[smem:$0x3FA4] =	sst s2  }
0xb: {  	[smem:$0x3FA5] =	sst s3  }
0xc: {  	[smem:$0x3FA6] =	sst s4  }
0xd: {  	[smem:$0x3FA7] =	sst s5  }
0xe: {  	[smem:$0x3FA8] =	sst s6  }
0xf: {  	[smem:$0x3FA9] =	sst s7  }
0x10: {  	[smem:$0x3FAA] =	sst s8  }
0x11: {  	[smem:$0x3FAB] =	sst s9;
	s0 =	simm.s32 @!p0 $0x0  }
0x12: {  	s1 =	sld [smem:$0x3F91];
	s0 =	simm.s32 @p0 $0x1  }
0x13: {  	[smem:$0x3FAC] =	sst s0;
	s0 =	simm.s32 @!p1 $0x0  }
0x14: {  	s2 =	sld [smem:$0x3F90];
	s0 =	simm.s32 @p1 $0x1  }
0x15: {  	[smem:$0x3FAD] =	sst s0;
	s0 =	simm.s32 @!p2 $0x0  }
0x16: {  	s3 =	sld [smem:$0x3FDB];
	s0 =	simm.s32 @p2 $0x1  }
0x17: {  	s4 =	simm.s32 $0x1BF5;
	[smem:$0x3FAF] =	sst s0  }
0x18: {  	s0 =	sld [smem:$0x3F92];
	_ =	swait.ge [sflag:s4], $0x0  }
0x19: {  	s7 =	sld [smem:$0x3F93]  }
0x1a: {  	s8 =	sadd.s32 $0xFFFFE003, lr  }
0x1b: {  	s9 =	sadd.s32 $0xFFFFFEF7, lr;
	s5 =	simm.s32 $0xFFFFFFFF;
	p2 =	slt.u32 s8, $0xFFFFF086  }
0x1c: {  	p1 =	slt.u32 s9, $0xF7A;
	s5 =	simm.s32 @!p2 $0x0  }
0x1d: {  	s5 =	simm.s32 @p1 $0x1;
	p0 =	seq.s32 s7, s2  }
0x1e: {  	s7 =	smul.u32 @!p0 $0xF7A, s2;
	p2 =	seq.s32 @!p0 s5, $0x0  }
0x1f: {  	s9 =	smul.u32 $0xF7A, s1;
	s8 =	simm.s32 @!p0 $0x1BF5;
	p2 =	por !p2, p0  }
0x20: {  	[sflag:s8] =	ssyncset.s32 @!p0 $0xFFFFF086;
	s6 =	sadd.s32 @!p0 s3, s7;
	s7 =	simm.s32 @!p0 $0x108  }
0x21: {  	s3 =	sadd.s32 s3, s9;
	s6 =	sadd.s32 @!p0 $0x88, s6;
	s7 =	simm.s32 @p2 $0x1082  }
0x22: {  	[simem:s7], [sflag:s8] =	dma.local @!p0 [hbm:s6], $0xF7A  }
0x23: {  	s9 =	sor.u32 $0xD0000000, s2;
	s6 =	simm.s32 $0x108;
	_ =	swait.ge @!p0 [sflag:s8], $0x0  }
0x24: {  	s3 =	sadd.s32 $0x88, s3;
	s6 =	simm.s32 @!p1 $0x1082;
	[sflag:s4] =	ssyncset.s32 $0xFFFFF086  }
0x25: {  	[simem:s6], [sflag:s4] =	dma.local [hbm:s3], $0xF7A  }
0x26: {  	[smem:$0x3F93] =	sst s1;
	(tag) =	ssettag s2;
	_ =	strace s9  }
0x27: {  	s1 =	sld [smem:$0x3FA3]  }
0x28: {  	s2 =	sld [smem:$0x3FA4]  }
0x29: {  	s4 =	sld [smem:$0x3FA6]  }
0x2a: {  	p0 =	seq.s32 s5, $0x0;
	s5 =	sld [smem:$0x3FA7]  }
0x2b: {  	s6 =	sld [smem:$0x3FA8]  }
0x2c: {  	s7 =	sld [smem:$0x3FA9]  }
0x2d: {  	s3 =	simm.s32 $0x108;
	s8 =	sld [smem:$0x3FAA]  }
0x2e: {  	s3 =	simm.s32 @!p0 $0x1082;
	s9 =	sld [smem:$0x3FAB]  }
0x2f: {  	lr =	sadd.s32 s0, s3;
	s0 =	sld [smem:$0x3FA2]  }
0x30: {  	s3 =	sld [smem:$0x3FA5]  }
0x31: {  	[smem:$0x3FAE] =	sst s10  }
0x32: {  	s10 =	sld [smem:$0x3FAC];
	_ =	sdelay $0x3  }
0x33: {  	p0 =	seq.s32 s10, $0x1;
	s10 =	sld [smem:$0x3FAE];
	_ =	sdelay $0x3  }
0x34: {  	[smem:$0x3FAE] =	sst s10  }
0x35: {  	s10 =	sld [smem:$0x3FAD];
	_ =	sdelay $0x3  }
0x36: {  	p1 =	seq.s32 s10, $0x1;
	s10 =	sld [smem:$0x3FAE];
	_ =	sdelay $0x3  }
0x37: {  	[smem:$0x3FAE] =	sst s10  }
0x38: {  	s10 =	sld [smem:$0x3FAF]  }
0x39: {  	_ = 	snop;
	(pc) =	sbr.ind lr, $3  }
0x3a: {  	_ = 	snop  }
0x3b: {  	_ = 	snop  }
0x3c: {  	p2 =	seq.s32 s10, $0x1;
	s10 =	sld [smem:$0x3FAE]  }
0x3d: {  	_ =	shalt  }
0x3e: {  	_ =	shalt  }
0x3f: {  	_ =	shalt  }
0x40: {  	_ =	shalt  }
0x41: {  	_ =	shalt  }
0x42: {  	_ =	shalt  }
0x43: {  	_ =	shalt  }
0x44: {  	_ =	shalt  }
0x45: {  	_ =	shalt  }
0x46: {  	_ =	shalt  }
0x47: {  	_ =	shalt  }
0x48: {  	_ =	shalt  }
0x49: {  	_ =	shalt  }
0x4a: {  	_ =	shalt  }
0x4b: {  	_ =	shalt  }
0x4c: {  	_ =	shalt  }
0x4d: {  	_ =	shalt  }
0x4e: {  	_ =	shalt  }
0x4f: {  	_ =	shalt  }
0x50: {  	_ =	shalt  }
0x51: {  	_ =	shalt  }
0x52: {  	_ =	shalt  }
0x53: {  	_ =	shalt  }
0x54: {  	_ =	shalt  }
0x55: {  	_ =	shalt  }
0x56: {  	_ =	shalt  }
0x57: {  	_ =	shalt  }
0x58: {  	_ =	shalt  }
0x59: {  	_ =	shalt  }
0x5a: {  	_ =	shalt  }
0x5b: {  	_ =	shalt  }
0x5c: {  	_ =	shalt  }
0x5d: {  	_ =	shalt  }
0x5e: {  	_ =	shalt  }
0x5f: {  	_ =	shalt  }
0x60: {  	_ =	shalt  }
0x61: {  	_ =	shalt  }
0x62: {  	_ =	shalt  }
0x63: {  	_ =	shalt  }
0x64: {  	_ =	shalt  }
0x65: {  	_ =	shalt  }
0x66: {  	_ =	shalt  }
0x67: {  	_ =	shalt  }
0x68: {  	_ =	shalt  }
0x69: {  	_ =	shalt  }
0x6a: {  	_ =	shalt  }
0x6b: {  	_ =	shalt  }
0x6c: {  	_ =	shalt  }
0x6d: {  	_ =	shalt  }
0x6e: {  	_ =	shalt  }
0x6f: {  	_ =	shalt  }
0x70: {  	_ =	shalt  }
0x71: {  	_ =	shalt  }
0x72: {  	_ =	shalt  }
0x73: {  	_ =	shalt  }
0x74: {  	_ =	shalt  }
0x75: {  	_ =	shalt  }
0x76: {  	_ =	shalt  }
0x77: {  	_ =	shalt  }
0x78: {  	_ =	shalt  }
0x79: {  	_ =	shalt  }
0x7a: {  	_ =	shalt  }
0x7b: {  	_ =	shalt  }
0x7c: {  	_ =	shalt  }
0x7d: {  	_ =	shalt  }
0x7e: {  	_ =	shalt  }
0x7f: {  	_ =	shalt  }
0x80: {  	_ =	shalt  }
0x81: {  	_ =	shalt  }
0x82: {  	_ =	shalt  }
0x83: {  	_ =	shalt  }
0x84: {  	_ =	shalt  }
0x85: {  	_ =	shalt  }
0x86: {  	_ =	shalt  }
0x87: {  	_ =	shalt  }
.Lfunc_end0:
.L_simem_size_0:
called_computation_lowered:
.L_overlay_start_0:
0x88: {  	s2 =	sld [smem:$0x3FD9]  }
0x89: {  	s3 =	sld [smem:$0x3FFE];
	_ =	sdelay $0x1  }
0x8a: {  	s1 =	srdreg.scid  }
0x8b: {  	s0 =	sand.u32 $0x1, s1  }
0x8c: {  	s17 =	sshll.u32 s0, $0xA;
	s2 =	sadd.s32 s3, s2  }
0x8d: {  	s2 =	sadd.s32 s2, s17  }
0x8e: {  	[smem:$0x3FBA] =	sst s2  }
0x8f: {  	_ = 	snop  }
0x90: {  	(tm) =	ssettm $0x1  }
0x91: {  	s18 =	sld [smem:$0x3FFB];
	_ =	sdelay $0x3  }
0x92: {  	_ =	strace s18  }
0x93: {  	s2 =	sld [smem:$0x3FFC];
	_ =	sdelay $0x3  }
0x94: {  	_ =	strace s2  }
0x95: {  	s2 =	sld [smem:$0x3FFD];
	_ =	sdelay $0x3  }
0x96: {  	_ =	strace s2  }
0x97: {  	_ =	strace $0x8FFFFFFF  }
0x98: {  	s19 =	sld [smem:$0x3FDB];
	_ =	sdelay $0x1  }
0x99: {  	s20 =	simm.s32 $_scs_section_size  }
0x9a: {  	s4 =	simm.s32 $_size__tile_overlayer_lowered;
	s5 =	simm.s32 $_tile_overlayer_lowered  }
0x9b: {  	s6 =	simm.s32 $0x1BFF;
	s21 =	sshll.u32 s5, $0x1;
	s3 =	sadd.s32 s20, s19  }
0x9c: {  	s22 =	simm.s32 $0x0;
	s4 =	sshll.u32 s4, $0x1;
	s5 =	sadd.s32 s21, s3  }
0x9d: {  	[timem:s22], [sflag:s6] =	dma.local [hbm:s5], s4  }
0x9e: {  	_ =	swait.ge [sflag:s6], s4  }
0x9f: {  	s4 =	ssub.s32 $0x0, s4;
	[sflag:s6] =	ssyncset.done $0x0  }
0xa0: {  	[sflag:s6] =	ssyncadd.s32 s4;
	_ =	sdelay $0x1  }
0xa1: {  	s23 =	simm.s32 $0x1B8B  }
0xa2: {  	_ =	swait.ge [sflag:s23], $0x1  }
0xa3: {  	[sflag:s23] =	ssyncset.done $0x0  }
0xa4: {  	[sflag:s23] =	ssyncadd.s32 $0xFFFFFFFF  }
0xa5: {  	s4 =	sld [smem:$0x0]  }
0xa6: {  	s5 =	sand.u32 $0xFFFFFFFE, s1  }
0xa7: {  	p0 =	sne.s32 s1, s5  }
0xa8: {  	s5 =	sshll.u32 @p0 s5, $0xE  }
0xa9: {  	s5 =	sadd.s32 @p0 $0x11B8D, s5;
	s6 =	sshll.u32 @p0 s4, $0x11  }
0xaa: {  	s5 =	sor.u32 @p0 s6, s5  }
0xab: {  	[sflag:s5] =	ssyncadd.remote.s32 @p0 $0x1;
	_ =	sdelay $0x1  }
0xac: {  	s5 =	simm.s32 @p0 $0x1B8D  }
0xad: {  	_ =	swait.eq @p0 [sflag:s5], $0x1  }
0xae: {  	[sflag:s5] =	ssyncadd.s32 @p0 $0xFFFFFFFF  }
0xaf: {  	s6 =	sshll.u32 @!p0 s1, $0xE  }
0xb0: {  	s6 =	sor.u32 @!p0 $0x4000, s6;
	s5 =	simm.s32 @!p0 $0x1B8D  }
0xb1: {  	s4 =	sshll.u32 @!p0 s4, $0x11;
	s6 =	sadd.s32 @!p0 $0x11B8D, s6;
	_ =	swait.eq @!p0 [sflag:s5], $0x1  }
0xb2: {  	s4 =	sor.u32 @!p0 s4, s6;
	[sflag:s5] =	ssyncadd.s32 @!p0 $0xFFFFFFFF  }
0xb3: {  	s25 =	simm.s32 $0x1B8E;
	s24 =	sld [smem:$0x3FFE];
	[sflag:s4] =	ssyncadd.remote.s32 @!p0 $0x1  }
0xb4: {  	s26 =	simm.s32 $execute0_lowered;
	[smem:$0x3FD2] =	sst s25  }
0xb5: {  	s5 =	sshll.u32 s26, $0x1;
	_ =	strace $0x80000049;
	[dreg:$0x1] =	wrdreg $0xFFFFFFFF  }
0xb6: {  	s28 =	simm.s32 $_size_execute0_lowered;
	s3 =	sadd.s32 s3, s5;
	[dreg:$0x0] =	wrdreg $0x0  }
0xb7: {  	s5 =	sshll.u32 s28, $0x1;
	[dreg:$0x2] =	wrdreg s3  }
0xb8: {  	[dreg:$0x3] =	wrdreg s5  }
0xb9: {  	[dreg:$0x4] =	wrdreg $0xC0  }
0xba: {  	_ =	task [dreg:s22], $0x5FFFF  }
0xbb: {  	[dreg:$0x1] =	wrdreg $0xFFFFFFFF  }
0xbc: {  	[dreg:$0x0] =	wrdreg $0x60  }
0xbd: {  	[dreg:$0x2] =	wrdreg s24  }
0xbe: {  	[dreg:$0x3] =	wrdreg $0x9  }
0xbf: {  	_ =	task.clear_ibuf [dreg:s22], $0x4FFFF;
	_ =	strace $0x90000049  }
0xc0: {  	s29 =	simm.s32 $0x9;
	_ =	strace $0x8000004B  }
0xc1: {  	_ =	swait.ge [sflag:s29], $0x1  }
0xc2: {  	[sflag:s29] =	ssyncadd.s32 $0xFFFFFFFF  }
0xc3: {  	_ =	strace $0x9000004B  }
0xc4: {  	_ =	sfence  }
0xc5: {  	s30 =	sld [smem:$0x0];
	_ =	sdelay $0x2  }
0xc6: {  	s31 =	sshll.u32 s1, $0xD;
	s1 =	sshrl.u32 s1, $0x2  }
0xc7: {  	s4 =	sand.u32 $0x4000, s31;
	s1 =	sadd.s32 s1, s30  }
0xc8: {  	s0 =	sor.u32 s4, s0;
	s1 =	sshll.u32 s1, $0x11  }
0xc9: {  	s0 =	sor.u32 s1, s0  }
0xca: {  	s0 =	sadd.s32 $0x8F2B, s0  }
0xcb: {  	[sflag:s0] =	ssyncadd.remote.s32 $0x1  }
0xcc: {  	_ =	sfence.sel $0xFFFF  }
0xcd: {  	[dreg:$0x0] =	wrdreg $0xFFFFFFFF;
	(pc) =	sbr.abs _section_cstart, $3  }
0xce: {  	[dreg:$0x1] =	wrdreg $0xFFFFFFFF  }
0xcf: {  	_ =	task.clear_ibuf [dreg:s22], $0x2FFFF;
	_ =	strace $0x9FFFFFFF  }
0xd0: {  	(tm) =	ssettm $0x7FFFFFFF  }
0xd1: {  	_ =	shalt  }
tec
execute0_lowered:
.L_overlay_start_1:
0x0: {  	(tag) =	ssettag $0x1  }
0x1: {  	s1 =	srdreg.scid  }
0x2: {  	s0 =	stileid.u32;
	s5 =	rddreg [dreg:$0x0];
	s2 =	simm.s32 $0x0  }
0x3: {  	s10 =	simm.s32 $0x2800;
	s11 =	simm.s32 $0x80;
	s12 =	simm.s32 $0x5000  }
0x4: {  	s13 =	simm.s32 $0x9800;
	s14 =	simm.s32 $0xE000;
	s15 =	simm.s32 $0x12800  }
0x5: {  	s16 =	simm.s32 $0x1;
	s17 =	simm.s32 $0x0;
	s6 =	sand.u32 $0x1, s1  }
0x6: {  	s3 =	sshll.u32 s0, $0x1;
	s1 =	rddreg [dreg:$0x1];
	s8 =	smul.u32 $0x5A000, s0  }
0x7: {  	s3 =	sor.u32 s6, s3;
	s9 =	ssub.s32 $0x2, s6;
	s6 =	smul.u32 $0x2D000, s6  }
0x8: {  	[smem:$0x7FF] =	sst s2;
	s4 =	sadd.s32 $0xE2400, s5;
	s7 =	smul.u32 $0x500, s3  }
0x9: {  	_ =	strace $0x8000004A;
	s3 =	sadd.s32 $0x42400, s5;
	s8 =	sadd.s32 s8, s5  }
0xa: {  	s31 =	sshrl.u32 s9, $0x1;
	s8 =	sadd.s32 s6, s8;
	s7 =	sadd.s32 s7, s5  }
0xb: {  	s9 =	ssub.s32 s9, s31;
	s8 =	sadd.s32 $0x6DC400, s8;
	s5 =	sadd.s32 $0x25000, s7  }
0xc: {  	s6 =	sadd.s32 $0x1B000, s7;
	s7 =	smax.u32 s9, $0x1;
	s9 =	simm.s32 $0x2  }
.LBB2_1:
0xd: {  	[tilespmem:s2], [sflag:$0x2] =	stream.linear.gather [hbm4b:s5+s2], $0x2800, $0x38;
	[tilespmem:$0x17000] =	vst v63  }
0xe: {  	_ =	swait.ge [sflag:s9], $0x2800  }
0xf: {  	[sflag:s9] =	ssyncset.done $0x0  }
0x10: {  	[sflag:s9] =	ssyncadd.s32 $0xFFFFD800  }
0x11: {  	[tilespmem:s10], [sflag:$0x2] =	stream.linear.gather [hbm4b:s6+s2], $0x2800, $0x38;
	[tilespmem:$0x17000] =	vst v63  }
0x12: {  	_ =	swait.ge [sflag:s9], $0x2800  }
0x13: {  	[sflag:s9] =	ssyncset.done $0x0  }
0x14: {  	s18 =	simm.s32 $0x0;
	[sflag:s9] =	ssyncadd.s32 $0xFFFFD800  }
0x15: {  	[tilespmem:s12], [sflag:$0x1] =	stream.indirect.gather [hbm4b:s3+s11], $0x90, s18, s11, $0xb8;
	[tilespmem:$0x17000] =	vst v63  }
0x16: {  	s24 =	simm.s32 $0x80  }
0x17: {  	[tilespmem:s13], [sflag:$0x1] =	stream.indirect.gather [hbm4b:s3+s11], $0x90, s24, s11, $0xb8;
	[tilespmem:$0x17000] =	vst v63  }
0x18: {  	s25 =	simm.s32 $0x100  }
0x19: {  	[tilespmem:s14], [sflag:$0x1] =	stream.indirect.gather [hbm4b:s3+s11], $0x90, s25, s11, $0xb8;
	[tilespmem:$0x17000] =	vst v63  }
0x1a: {  	s26 =	simm.s32 $0x180  }
0x1b: {  	[tilespmem:s15], [sflag:$0x1] =	stream.indirect.gather [hbm4b:s3+s11], $0x90, s26, s11, $0xb8;
	[tilespmem:$0x17000] =	vst v63  }
0x1c: {  	_ =	swait.ge [sflag:s16], $0x4800  }
0x1d: {  	[sflag:s16] =	ssyncset.done $0x0  }
0x1e: {  	[sflag:s16] =	ssyncadd.s32 $0xFFFFB800  }
0x1f: {  	_ =	swait.ge [sflag:s16], $0x4800  }
0x20: {  	[sflag:s16] =	ssyncset.done $0x0  }
0x21: {  	[sflag:s16] =	ssyncadd.s32 $0xFFFFB800  }
0x22: {  	_ =	swait.ge [sflag:s16], $0x4800  }
0x23: {  	[sflag:s16] =	ssyncset.done $0x0  }
0x24: {  	[sflag:s16] =	ssyncadd.s32 $0xFFFFB800  }
0x25: {  	_ =	swait.ge [sflag:s16], $0x4800  }
0x26: {  	[sflag:s16] =	ssyncset.done $0x0  }
0x27: {  	s28 =	simm.s32 $0x2800;
	[sflag:s16] =	ssyncadd.s32 $0xFFFFB800  }
0x28: {  	[tilespmem:s12], [sflag:$0x1] =	stream.indirect.gather.add.f32 [hbm:s4], $0x90, s28, s11, $0xb8;
	[tilespmem:$0x17000] =	vst v63  }
0x29: {  	s29 =	simm.s32 $0x2880  }
0x2a: {  	[tilespmem:s13], [sflag:$0x1] =	stream.indirect.gather.add.f32 [hbm:s4], $0x90, s29, s11, $0xb8;
	[tilespmem:$0x17000] =	vst v63  }
0x2b: {  	s30 =	simm.s32 $0x2900  }
0x2c: {  	[tilespmem:s14], [sflag:$0x1] =	stream.indirect.gather.add.f32 [hbm:s4], $0x90, s30, s11, $0xb8;
	[tilespmem:$0x17000] =	vst v63  }
0x2d: {  	s31 =	simm.s32 $0x2980  }
0x2e: {  	[tilespmem:s15], [sflag:$0x1] =	stream.indirect.gather.add.f32 [hbm:s4], $0x90, s31, s11, $0xb8;
	[tilespmem:$0x17000] =	vst v63  }
0x2f: {  	_ =	swait.ge [sflag:s16], $0x4800  }
0x30: {  	[sflag:s16] =	ssyncset.done $0x0  }
0x31: {  	[sflag:s16] =	ssyncadd.s32 $0xFFFFB800  }
0x32: {  	_ =	swait.ge [sflag:s16], $0x4800  }
0x33: {  	[sflag:s16] =	ssyncset.done $0x0  }
0x34: {  	[sflag:s16] =	ssyncadd.s32 $0xFFFFB800  }
0x35: {  	_ =	swait.ge [sflag:s16], $0x4800  }
0x36: {  	[sflag:s16] =	ssyncset.done $0x0  }
0x37: {  	[sflag:s16] =	ssyncadd.s32 $0xFFFFB800  }
0x38: {  	_ =	swait.ge [sflag:s16], $0x4800  }
0x39: {  	[sflag:s16] =	ssyncset.done $0x0  }
0x3a: {  	[sflag:s16] =	ssyncadd.s32 $0xFFFFB800  }
0x3b: {  	[hbm4b:s8+s2] =	stream.linear.scatter [tilespmem:s12], [sflag:$0x2], $0x12000, $0x38;
	[tilespmem:$0x17000] =	vst v63  }
0x3c: {  	s19 =	simm.s32 $0x800;
	_ =	swait.ge [sflag:s9], $0x12000  }
0x3d: {  	s21 =	simm.s32 $0x1000;
	s18 =	sadd.s32 $0x2400, s8;
	[sflag:s9] =	ssyncset.done $0x0  }
.LBB2_2:
0x3e: {  	s22 =	sshra.s32 s19, $0x2  }
0x3f: {  	[sflag:s9] =	ssyncadd.s32 $0xFFFEE000;
	s19 =	smov.u32 s21;
	s20 =	sadd.s32 $0x800, s21  }
0x40: {  	[tilespmem:s12], [sflag:$0x1] =	stream.indirect.gather [hbm4b:s3+s11], $0x90, s22, s11, $0xb8;
	[tilespmem:$0x17000] =	vst v63  }
0x41: {  	p0 =	sne.s32 s21, $0x9800;
	s21 =	sadd.s32 $0x80, s22  }
0x42: {  	[tilespmem:s13], [sflag:$0x1] =	stream.indirect.gather [hbm4b:s3+s11], $0x90, s21, s11, $0xb8;
	[tilespmem:$0x17000] =	vst v63  }
0x43: {  	s21 =	sadd.s32 $0x100, s22  }
0x44: {  	[tilespmem:s14], [sflag:$0x1] =	stream.indirect.gather [hbm4b:s3+s11], $0x90, s21, s11, $0xb8;
	[tilespmem:$0x17000] =	vst v63  }
0x45: {  	s21 =	sadd.s32 $0x180, s22  }
0x46: {  	[tilespmem:s15], [sflag:$0x1] =	stream.indirect.gather [hbm4b:s3+s11], $0x90, s21, s11, $0xb8;
	[tilespmem:$0x17000] =	vst v63  }
0x47: {  	_ =	swait.ge [sflag:s16], $0x4800  }
0x48: {  	[sflag:s16] =	ssyncset.done $0x0  }
0x49: {  	[sflag:s16] =	ssyncadd.s32 $0xFFFFB800  }
0x4a: {  	_ =	swait.ge [sflag:s16], $0x4800  }
0x4b: {  	[sflag:s16] =	ssyncset.done $0x0  }
0x4c: {  	[sflag:s16] =	ssyncadd.s32 $0xFFFFB800  }
0x4d: {  	_ =	swait.ge [sflag:s16], $0x4800  }
0x4e: {  	[sflag:s16] =	ssyncset.done $0x0  }
0x4f: {  	[sflag:s16] =	ssyncadd.s32 $0xFFFFB800  }
0x50: {  	_ =	swait.ge [sflag:s16], $0x4800  }
0x51: {  	[sflag:s16] =	ssyncset.done $0x0  }
0x52: {  	s21 =	sadd.s32 $0x2800, s22;
	[sflag:s16] =	ssyncadd.s32 $0xFFFFB800  }
0x53: {  	[tilespmem:s12], [sflag:$0x1] =	stream.indirect.gather.add.f32 [hbm:s4], $0x90, s21, s11, $0xb8;
	[tilespmem:$0x17000] =	vst v63  }
0x54: {  	s21 =	sadd.s32 $0x2880, s22  }
0x55: {  	[tilespmem:s13], [sflag:$0x1] =	stream.indirect.gather.add.f32 [hbm:s4], $0x90, s21, s11, $0xb8;
	[tilespmem:$0x17000] =	vst v63  }
0x56: {  	s21 =	sadd.s32 $0x2900, s22  }
0x57: {  	[tilespmem:s14], [sflag:$0x1] =	stream.indirect.gather.add.f32 [hbm:s4], $0x90, s21, s11, $0xb8;
	[tilespmem:$0x17000] =	vst v63  }
0x58: {  	s21 =	sadd.s32 $0x2980, s22  }
0x59: {  	[tilespmem:s15], [sflag:$0x1] =	stream.indirect.gather.add.f32 [hbm:s4], $0x90, s21, s11, $0xb8;
	[tilespmem:$0x17000] =	vst v63  }
0x5a: {  	_ =	swait.ge [sflag:s16], $0x4800  }
0x5b: {  	[sflag:s16] =	ssyncset.done $0x0  }
0x5c: {  	[sflag:s16] =	ssyncadd.s32 $0xFFFFB800  }
0x5d: {  	_ =	swait.ge [sflag:s16], $0x4800  }
0x5e: {  	[sflag:s16] =	ssyncset.done $0x0  }
0x5f: {  	[sflag:s16] =	ssyncadd.s32 $0xFFFFB800  }
0x60: {  	_ =	swait.ge [sflag:s16], $0x4800  }
0x61: {  	[sflag:s16] =	ssyncset.done $0x0  }
0x62: {  	[sflag:s16] =	ssyncadd.s32 $0xFFFFB800  }
0x63: {  	_ =	swait.ge [sflag:s16], $0x4800  }
.Ltmp0:
0x64: {  	[sflag:s16] =	ssyncset.done $0x0;
	(pc) =	sbr.rel @p0 .LBB2_2-.Ltmp0, $4  }
0x65: {  	[sflag:s16] =	ssyncadd.s32 $0xFFFFB800  }
0x66: {  	[hbm4b:s18+s2] =	stream.linear.scatter [tilespmem:s12], [sflag:$0x2], $0x12000, $0x38;
	[tilespmem:$0x17000] =	vst v63  }
0x67: {  	_ =	swait.ge [sflag:s9], $0x12000  }
0x68: {  	s21 =	smov.u32 s20;
	s18 =	sadd.s32 $0x2400, s18;
	[sflag:s9] =	ssyncset.done $0x0  }
0x69: {  	s19 =	sshra.s32 s19, $0x2;
	[sflag:s9] =	ssyncadd.s32 $0xFFFEE000  }
0x6a: {  	[tilespmem:s12], [sflag:$0x1] =	stream.indirect.gather [hbm4b:s3+s11], $0x90, s19, s11, $0xb8;
	[tilespmem:$0x17000] =	vst v63  }
0x6b: {  	s20 =	sadd.s32 $0x80, s19  }
0x6c: {  	[tilespmem:s13], [sflag:$0x1] =	stream.indirect.gather [hbm4b:s3+s11], $0x90, s20, s11, $0xb8;
	[tilespmem:$0x17000] =	vst v63  }
0x6d: {  	s26 =	sadd.s32 $0x100, s19  }
0x6e: {  	[tilespmem:s14], [sflag:$0x1] =	stream.indirect.gather [hbm4b:s3+s11], $0x90, s26, s11, $0xb8;
	[tilespmem:$0x17000] =	vst v63  }
0x6f: {  	s28 =	sadd.s32 $0x180, s19  }
0x70: {  	[tilespmem:s15], [sflag:$0x1] =	stream.indirect.gather [hbm4b:s3+s11], $0x90, s28, s11, $0xb8;
	[tilespmem:$0x17000] =	vst v63  }
0x71: {  	_ =	swait.ge [sflag:s16], $0x4800  }
0x72: {  	[sflag:s16] =	ssyncset.done $0x0  }
0x73: {  	[sflag:s16] =	ssyncadd.s32 $0xFFFFB800  }
0x74: {  	_ =	swait.ge [sflag:s16], $0x4800  }
0x75: {  	[sflag:s16] =	ssyncset.done $0x0  }
0x76: {  	[sflag:s16] =	ssyncadd.s32 $0xFFFFB800  }
0x77: {  	_ =	swait.ge [sflag:s16], $0x4800  }
0x78: {  	[sflag:s16] =	ssyncset.done $0x0  }
0x79: {  	[sflag:s16] =	ssyncadd.s32 $0xFFFFB800  }
0x7a: {  	_ =	swait.ge [sflag:s16], $0x4800  }
0x7b: {  	[sflag:s16] =	ssyncset.done $0x0  }
0x7c: {  	s29 =	sadd.s32 $0x2800, s19;
	[sflag:s16] =	ssyncadd.s32 $0xFFFFB800  }
0x7d: {  	[tilespmem:s12], [sflag:$0x1] =	stream.indirect.gather.add.f32 [hbm:s4], $0x90, s29, s11, $0xb8;
	[tilespmem:$0x17000] =	vst v63  }
0x7e: {  	s30 =	sadd.s32 $0x2880, s19  }
0x7f: {  	[tilespmem:s13], [sflag:$0x1] =	stream.indirect.gather.add.f32 [hbm:s4], $0x90, s30, s11, $0xb8;
	[tilespmem:$0x17000] =	vst v63  }
0x80: {  	s31 =	sadd.s32 $0x2900, s19  }
0x81: {  	[tilespmem:s14], [sflag:$0x1] =	stream.indirect.gather.add.f32 [hbm:s4], $0x90, s31, s11, $0xb8;
	[tilespmem:$0x17000] =	vst v63  }
0x82: {  	s19 =	sadd.s32 $0x2980, s19  }
0x83: {  	[tilespmem:s15], [sflag:$0x1] =	stream.indirect.gather.add.f32 [hbm:s4], $0x90, s19, s11, $0xb8;
	[tilespmem:$0x17000] =	vst v63  }
0x84: {  	_ =	swait.ge [sflag:s16], $0x4800  }
0x85: {  	[sflag:s16] =	ssyncset.done $0x0  }
0x86: {  	[sflag:s16] =	ssyncadd.s32 $0xFFFFB800  }
0x87: {  	_ =	swait.ge [sflag:s16], $0x4800  }
0x88: {  	[sflag:s16] =	ssyncset.done $0x0  }
0x89: {  	[sflag:s16] =	ssyncadd.s32 $0xFFFFB800  }
0x8a: {  	_ =	swait.ge [sflag:s16], $0x4800  }
0x8b: {  	[sflag:s16] =	ssyncset.done $0x0  }
0x8c: {  	[sflag:s16] =	ssyncadd.s32 $0xFFFFB800  }
0x8d: {  	s17 =	sadd.s32 $0x1, s17;
	_ =	swait.ge [sflag:s16], $0x4800  }
0x8e: {  	p0 =	sne.s32 s17, s7;
	[sflag:s16] =	ssyncset.done $0x0  }
.Ltmp1:
0x8f: {  	[sflag:s16] =	ssyncadd.s32 $0xFFFFB800;
	(pc) =	sbr.rel @p0 .LBB2_1-.Ltmp1, $4  }
0x90: {  	[hbm4b:s18+s2] =	stream.linear.scatter [tilespmem:s12], [sflag:$0x2], $0x12000, $0x38;
	[tilespmem:$0x17000] =	vst v63  }
0x91: {  	_ =	swait.ge [sflag:s9], $0x12000  }
0x92: {  	[sflag:s9] =	ssyncset.done $0x0  }
0x93: {  	[sflag:s9] =	ssyncadd.s32 $0xFFFEE000  }
0x94: {  	_ =	sfence.sel $0x180000  }
0x95: {  	[bflag:$0x0] =	sbarrier.arrive $0xFFFF  }
0x96: {  	p0 =	sne.s32 s0, $0x0;
	_ =	strace $0x9000004A  }
0x97: {  	s0 =	sadd.s32 @!p0 $0x100000, s1;
	[bflag:$0x2] =	sbarrier.arrive $0xFFFF  }
0x98: {  	[sflag:s0] =	ssyncadd.tile.s32 @!p0 $0x1;
	_ =	shalt  }
.Lfunc_end2:
_tile_overlayer_lowered:
.L_overlay_start_2:
0x99: {  	(tag) =	ssettag $0x2  }
0x9a: {  	s0 =	rddreg [dreg:$0x0];
	s2 =	stileid.u32  }
0x9b: {  	s1 =	rddreg [dreg:$0x1];
	p0 =	sne.s32 s2, $0x0  }
0x9c: {  	s3 =	rddreg [dreg:$0x2];
	[bflag:$0x3] =	sbarrier.arrive $0xFFFF;
	s2 =	simm.s32 @!p0 $0x1C02  }
0x9d: {  	[timem:s3], [sflag:s2] =	dma.local @!p0 [hbm:s0], s1  }
0x9e: {  	s0 =	simm.s32 @!p0 $0x2  }
0x9f: {  	_ =	swait.ge @!p0 [sflag:s0], s1  }
0xa0: {  	s1 =	ssub.s32 @!p0 $0x0, s1;
	[sflag:s0] =	ssyncset.done @!p0 $0x0  }
0xa1: {  	[sflag:s0] =	ssyncadd.s32 @!p0 s1  }
0xa2: {  	[bflag:$0x3] =	sbarrier.arrive $0xFFFF  }
0xa3: {  	_ =	shalt  }

// kernel: kernel.13.cloned.1.call-start
scs
__scs_entry_jumppad:
0x0: {  	(pc) =	sbr.rel $0x88, $3  }
0x1: {  	(tag) =	ssettag $0x0;
	lr =	simm.s32 $0x1  }
0x2: {  	[smem:$0x3F93] =	sst lr;
	_ =	strace $0xD0000000  }
0x3: {  	_ = 	snop  }
0x4: {  	_ = 	snop  }
0x5: {  	_ = 	snop  }
0x6: {  	_ = 	snop  }
0x7: {  	_ = 	snop  }
__scs_overlays_trampoline_lowered:
0x8: {  	[smem:$0x3FA2] =	sst s0  }
0x9: {  	[smem:$0x3FA3] =	sst s1  }
0xa: {  	[smem:$0x3FA4] =	sst s2  }
0xb: {  	[smem:$0x3FA5] =	sst s3  }
0xc: {  	[smem:$0x3FA6] =	sst s4  }
0xd: {  	[smem:$0x3FA7] =	sst s5  }
0xe: {  	[smem:$0x3FA8] =	sst s6  }
0xf: {  	[smem:$0x3FA9] =	sst s7  }
0x10: {  	[smem:$0x3FAA] =	sst s8  }
0x11: {  	[smem:$0x3FAB] =	sst s9;
	s0 =	simm.s32 @!p0 $0x0  }
0x12: {  	s1 =	sld [smem:$0x3F91];
	s0 =	simm.s32 @p0 $0x1  }
0x13: {  	[smem:$0x3FAC] =	sst s0;
	s0 =	simm.s32 @!p1 $0x0  }
0x14: {  	s2 =	sld [smem:$0x3F90];
	s0 =	simm.s32 @p1 $0x1  }
0x15: {  	[smem:$0x3FAD] =	sst s0;
	s0 =	simm.s32 @!p2 $0x0  }
0x16: {  	s3 =	sld [smem:$0x3FDB];
	s0 =	simm.s32 @p2 $0x1  }
0x17: {  	s4 =	simm.s32 $0x1BF5;
	[smem:$0x3FAF] =	sst s0  }
0x18: {  	s0 =	sld [smem:$0x3F92];
	_ =	swait.ge [sflag:s4], $0x0  }
0x19: {  	s7 =	sld [smem:$0x3F93]  }
0x1a: {  	s8 =	sadd.s32 $0xFFFFE003, lr  }
0x1b: {  	s9 =	sadd.s32 $0xFFFFFEF7, lr;
	s5 =	simm.s32 $0xFFFFFFFF;
	p2 =	slt.u32 s8, $0xFFFFF086  }
0x1c: {  	p1 =	slt.u32 s9, $0xF7A;
	s5 =	simm.s32 @!p2 $0x0  }
0x1d: {  	s5 =	simm.s32 @p1 $0x1;
	p0 =	seq.s32 s7, s2  }
0x1e: {  	s7 =	smul.u32 @!p0 $0xF7A, s2;
	p2 =	seq.s32 @!p0 s5, $0x0  }
0x1f: {  	s9 =	smul.u32 $0xF7A, s1;
	s8 =	simm.s32 @!p0 $0x1BF5;
	p2 =	por !p2, p0  }
0x20: {  	[sflag:s8] =	ssyncset.s32 @!p0 $0xFFFFF086;
	s6 =	sadd.s32 @!p0 s3, s7;
	s7 =	simm.s32 @!p0 $0x108  }
0x21: {  	s3 =	sadd.s32 s3, s9;
	s6 =	sadd.s32 @!p0 $0x88, s6;
	s7 =	simm.s32 @p2 $0x1082  }
0x22: {  	[simem:s7], [sflag:s8] =	dma.local @!p0 [hbm:s6], $0xF7A  }
0x23: {  	s9 =	sor.u32 $0xD0000000, s2;
	s6 =	simm.s32 $0x108;
	_ =	swait.ge @!p0 [sflag:s8], $0x0  }
0x24: {  	s3 =	sadd.s32 $0x88, s3;
	s6 =	simm.s32 @!p1 $0x1082;
	[sflag:s4] =	ssyncset.s32 $0xFFFFF086  }
0x25: {  	[simem:s6], [sflag:s4] =	dma.local [hbm:s3], $0xF7A  }
0x26: {  	[smem:$0x3F93] =	sst s1;
	(tag) =	ssettag s2;
	_ =	strace s9  }
0x27: {  	s1 =	sld [smem:$0x3FA3]  }
0x28: {  	s2 =	sld [smem:$0x3FA4]  }
0x29: {  	s4 =	sld [smem:$0x3FA6]  }
0x2a: {  	p0 =	seq.s32 s5, $0x0;
	s5 =	sld [smem:$0x3FA7]  }
0x2b: {  	s6 =	sld [smem:$0x3FA8]  }
0x2c: {  	s7 =	sld [smem:$0x3FA9]  }
0x2d: {  	s3 =	simm.s32 $0x108;
	s8 =	sld [smem:$0x3FAA]  }
0x2e: {  	s3 =	simm.s32 @!p0 $0x1082;
	s9 =	sld [smem:$0x3FAB]  }
0x2f: {  	lr =	sadd.s32 s0, s3;
	s0 =	sld [smem:$0x3FA2]  }
0x30: {  	s3 =	sld [smem:$0x3FA5]  }
0x31: {  	[smem:$0x3FAE] =	sst s10  }
0x32: {  	s10 =	sld [smem:$0x3FAC];
	_ =	sdelay $0x3  }
0x33: {  	p0 =	seq.s32 s10, $0x1;
	s10 =	sld [smem:$0x3FAE];
	_ =	sdelay $0x3  }
0x34: {  	[smem:$0x3FAE] =	sst s10  }
0x35: {  	s10 =	sld [smem:$0x3FAD];
	_ =	sdelay $0x3  }
0x36: {  	p1 =	seq.s32 s10, $0x1;
	s10 =	sld [smem:$0x3FAE];
	_ =	sdelay $0x3  }
0x37: {  	[smem:$0x3FAE] =	sst s10  }
0x38: {  	s10 =	sld [smem:$0x3FAF]  }
0x39: {  	_ = 	snop;
	(pc) =	sbr.ind lr, $3  }
0x3a: {  	_ = 	snop  }
0x3b: {  	_ = 	snop  }
0x3c: {  	p2 =	seq.s32 s10, $0x1;
	s10 =	sld [smem:$0x3FAE]  }
0x3d: {  	_ =	shalt  }
0x3e: {  	_ =	shalt  }
0x3f: {  	_ =	shalt  }
0x40: {  	_ =	shalt  }
0x41: {  	_ =	shalt  }
0x42: {  	_ =	shalt  }
0x43: {  	_ =	shalt  }
0x44: {  	_ =	shalt  }
0x45: {  	_ =	shalt  }
0x46: {  	_ =	shalt  }
0x47: {  	_ =	shalt  }
0x48: {  	_ =	shalt  }
0x49: {  	_ =	shalt  }
0x4a: {  	_ =	shalt  }
0x4b: {  	_ =	shalt  }
0x4c: {  	_ =	shalt  }
0x4d: {  	_ =	shalt  }
0x4e: {  	_ =	shalt  }
0x4f: {  	_ =	shalt  }
0x50: {  	_ =	shalt  }
0x51: {  	_ =	shalt  }
0x52: {  	_ =	shalt  }
0x53: {  	_ =	shalt  }
0x54: {  	_ =	shalt  }
0x55: {  	_ =	shalt  }
0x56: {  	_ =	shalt  }
0x57: {  	_ =	shalt  }
0x58: {  	_ =	shalt  }
0x59: {  	_ =	shalt  }
0x5a: {  	_ =	shalt  }
0x5b: {  	_ =	shalt  }
0x5c: {  	_ =	shalt  }
0x5d: {  	_ =	shalt  }
0x5e: {  	_ =	shalt  }
0x5f: {  	_ =	shalt  }
0x60: {  	_ =	shalt  }
0x61: {  	_ =	shalt  }
0x62: {  	_ =	shalt  }
0x63: {  	_ =	shalt  }
0x64: {  	_ =	shalt  }
0x65: {  	_ =	shalt  }
0x66: {  	_ =	shalt  }
0x67: {  	_ =	shalt  }
0x68: {  	_ =	shalt  }
0x69: {  	_ =	shalt  }
0x6a: {  	_ =	shalt  }
0x6b: {  	_ =	shalt  }
0x6c: {  	_ =	shalt  }
0x6d: {  	_ =	shalt  }
0x6e: {  	_ =	shalt  }
0x6f: {  	_ =	shalt  }
0x70: {  	_ =	shalt  }
0x71: {  	_ =	shalt  }
0x72: {  	_ =	shalt  }
0x73: {  	_ =	shalt  }
0x74: {  	_ =	shalt  }
0x75: {  	_ =	shalt  }
0x76: {  	_ =	shalt  }
0x77: {  	_ =	shalt  }
0x78: {  	_ =	shalt  }
0x79: {  	_ =	shalt  }
0x7a: {  	_ =	shalt  }
0x7b: {  	_ =	shalt  }
0x7c: {  	_ =	shalt  }
0x7d: {  	_ =	shalt  }
0x7e: {  	_ =	shalt  }
0x7f: {  	_ =	shalt  }
0x80: {  	_ =	shalt  }
0x81: {  	_ =	shalt  }
0x82: {  	_ =	shalt  }
0x83: {  	_ =	shalt  }
0x84: {  	_ =	shalt  }
0x85: {  	_ =	shalt  }
0x86: {  	_ =	shalt  }
0x87: {  	_ =	shalt  }
.Lfunc_end0:
.L_simem_size_0:
called_computation.1_lowered:
.L_overlay_start_0:
0x88: {  	s2 =	sld [smem:$0x3FD9]  }
0x89: {  	s3 =	sld [smem:$0x3FFE];
	_ =	sdelay $0x1  }
0x8a: {  	s1 =	srdreg.scid  }
0x8b: {  	s0 =	sand.u32 $0x1, s1  }
0x8c: {  	s17 =	sshll.u32 s0, $0xA;
	s2 =	sadd.s32 s3, s2  }
0x8d: {  	s2 =	sadd.s32 s2, s17  }
0x8e: {  	[smem:$0x3FBA] =	sst s2  }
0x8f: {  	_ = 	snop  }
0x90: {  	(tm) =	ssettm $0x1  }
0x91: {  	s18 =	sld [smem:$0x3FFB];
	_ =	sdelay $0x3  }
0x92: {  	_ =	strace s18  }
0x93: {  	s2 =	sld [smem:$0x3FFC];
	_ =	sdelay $0x3  }
0x94: {  	_ =	strace s2  }
0x95: {  	s2 =	sld [smem:$0x3FFD];
	_ =	sdelay $0x3  }
0x96: {  	_ =	strace s2  }
0x97: {  	_ =	strace $0x8FFFFFFF  }
0x98: {  	s19 =	sld [smem:$0x3FDB];
	_ =	sdelay $0x1  }
0x99: {  	s20 =	simm.s32 $_scs_section_size  }
0x9a: {  	s4 =	simm.s32 $_size__tile_overlayer_lowered;
	s5 =	simm.s32 $_tile_overlayer_lowered  }
0x9b: {  	s6 =	simm.s32 $0x1BFF;
	s21 =	sshll.u32 s5, $0x1;
	s3 =	sadd.s32 s20, s19  }
0x9c: {  	s22 =	simm.s32 $0x0;
	s4 =	sshll.u32 s4, $0x1;
	s5 =	sadd.s32 s21, s3  }
0x9d: {  	[timem:s22], [sflag:s6] =	dma.local [hbm:s5], s4  }
0x9e: {  	_ =	swait.ge [sflag:s6], s4  }
0x9f: {  	s4 =	ssub.s32 $0x0, s4;
	[sflag:s6] =	ssyncset.done $0x0  }
0xa0: {  	[sflag:s6] =	ssyncadd.s32 s4;
	_ =	sdelay $0x1  }
0xa1: {  	s23 =	simm.s32 $0x1B8B  }
0xa2: {  	_ =	swait.ge [sflag:s23], $0x1  }
0xa3: {  	[sflag:s23] =	ssyncset.done $0x0  }
0xa4: {  	[sflag:s23] =	ssyncadd.s32 $0xFFFFFFFF  }
0xa5: {  	s4 =	sld [smem:$0x0]  }
0xa6: {  	s5 =	sand.u32 $0xFFFFFFFE, s1  }
0xa7: {  	p0 =	sne.s32 s1, s5  }
0xa8: {  	s5 =	sshll.u32 @p0 s5, $0xE  }
0xa9: {  	s5 =	sadd.s32 @p0 $0x11B8D, s5;
	s6 =	sshll.u32 @p0 s4, $0x11  }
0xaa: {  	s5 =	sor.u32 @p0 s6, s5  }
0xab: {  	[sflag:s5] =	ssyncadd.remote.s32 @p0 $0x1;
	_ =	sdelay $0x1  }
0xac: {  	s5 =	simm.s32 @p0 $0x1B8D  }
0xad: {  	_ =	swait.eq @p0 [sflag:s5], $0x1  }
0xae: {  	[sflag:s5] =	ssyncadd.s32 @p0 $0xFFFFFFFF  }
0xaf: {  	s6 =	sshll.u32 @!p0 s1, $0xE  }
0xb0: {  	s6 =	sor.u32 @!p0 $0x4000, s6;
	s5 =	simm.s32 @!p0 $0x1B8D  }
0xb1: {  	s4 =	sshll.u32 @!p0 s4, $0x11;
	s6 =	sadd.s32 @!p0 $0x11B8D, s6;
	_ =	swait.eq @!p0 [sflag:s5], $0x1  }
0xb2: {  	s4 =	sor.u32 @!p0 s4, s6;
	[sflag:s5] =	ssyncadd.s32 @!p0 $0xFFFFFFFF  }
0xb3: {  	s25 =	simm.s32 $0x1B8E;
	s24 =	sld [smem:$0x3FFE];
	[sflag:s4] =	ssyncadd.remote.s32 @!p0 $0x1  }
0xb4: {  	s26 =	simm.s32 $execute0_lowered;
	[smem:$0x3FD2] =	sst s25  }
0xb5: {  	s5 =	sshll.u32 s26, $0x1;
	_ =	strace $0x8000004F;
	[dreg:$0x1] =	wrdreg $0xFFFFFFFF  }
0xb6: {  	s28 =	simm.s32 $_size_execute0_lowered;
	s3 =	sadd.s32 s3, s5;
	[dreg:$0x0] =	wrdreg $0x0  }
0xb7: {  	s5 =	sshll.u32 s28, $0x1;
	[dreg:$0x2] =	wrdreg s3  }
0xb8: {  	[dreg:$0x3] =	wrdreg s5  }
0xb9: {  	[dreg:$0x4] =	wrdreg $0xC0  }
0xba: {  	_ =	task [dreg:s22], $0x5FFFF  }
0xbb: {  	[dreg:$0x1] =	wrdreg $0xFFFFFFFF  }
0xbc: {  	[dreg:$0x0] =	wrdreg $0x60  }
0xbd: {  	[dreg:$0x2] =	wrdreg s24  }
0xbe: {  	[dreg:$0x3] =	wrdreg $0x91000  }
0xbf: {  	[dreg:$0x4] =	wrdreg $0x9  }
0xc0: {  	_ =	task.clear_ibuf [dreg:s22], $0x5FFFF;
	_ =	strace $0x9000004F  }
0xc1: {  	s29 =	simm.s32 $0x9;
	_ =	strace $0x80000051  }
0xc2: {  	_ =	swait.ge [sflag:s29], $0x1  }
0xc3: {  	[sflag:s29] =	ssyncadd.s32 $0xFFFFFFFF  }
0xc4: {  	_ =	strace $0x90000051  }
0xc5: {  	_ =	sfence  }
0xc6: {  	s30 =	sld [smem:$0x0];
	_ =	sdelay $0x2  }
0xc7: {  	s31 =	sshll.u32 s1, $0xD;
	s1 =	sshrl.u32 s1, $0x2  }
0xc8: {  	s4 =	sand.u32 $0x4000, s31;
	s1 =	sadd.s32 s1, s30  }
0xc9: {  	s0 =	sor.u32 s4, s0;
	s1 =	sshll.u32 s1, $0x11  }
0xca: {  	s0 =	sor.u32 s1, s0  }
0xcb: {  	s0 =	sadd.s32 $0x8F2B, s0  }
0xcc: {  	[sflag:s0] =	ssyncadd.remote.s32 $0x1  }
0xcd: {  	_ =	sfence.sel $0xFFFF  }
0xce: {  	[dreg:$0x0] =	wrdreg $0xFFFFFFFF;
	(pc) =	sbr.abs _section_cstart, $3  }
0xcf: {  	[dreg:$0x1] =	wrdreg $0xFFFFFFFF  }
0xd0: {  	_ =	task.clear_ibuf [dreg:s22], $0x2FFFF;
	_ =	strace $0x9FFFFFFF  }
0xd1: {  	(tm) =	ssettm $0x7FFFFFFF  }
tec
execute0_lowered:
.L_overlay_start_1:
0x0: {  	(tag) =	ssettag $0x1  }
0x1: {  	s0 =	stileid.u32;
	s1 =	srdreg.scid  }
0x2: {  	s5 =	rddreg [dreg:$0x0];
	s4 =	smul.u32 $0x5A000, s0  }
0x3: {  	s2 =	rddreg [dreg:$0x1];
	s3 =	simm.s32 $0x0;
	s7 =	smul.u32 $0x5000, s0  }
0x4: {  	s15 =	simm.s32 $0x1;
	s6 =	sand.u32 $0x1, s1;
	s9 =	smul.u32 $0x16800, s0  }
0x5: {  	s16 =	simm.s32 $0x0;
	s1 =	rddreg [dreg:$0x2];
	s8 =	smul.u32 $0x2800, s6  }
0x6: {  	[smem:$0x7FF] =	sst s3;
	s30 =	sshll.u32 s0, $0x6;
	s24 =	smul.u32 $0x168000, s6  }
0x7: {  	_ =	strace $0x80000050;
	s28 =	ssub.s32 $0x2, s6;
	s13 =	smul.u32 $0x2D000, s6  }
0x8: {  	s10 =	sadd.s32 s4, s5;
	s26 =	sshrl.u32 s9, $0x3;
	s29 =	sshrl.u32 s28, $0x1  }
0x9: {  	s14 =	sadd.s32 s9, s2;
	s7 =	sadd.s32 s8, s7;
	s25 =	sadd.s32 s9, s24  }
0xa: {  	s8 =	ssub.s32 s28, s29;
	s31 =	sadd.s32 s13, s10;
	s10 =	sshrl.u32 s14, $0x3  }
0xb: {  	s13 =	simm.s32 $0x80;
	s14 =	simm.s32 $0x4900;
	s7 =	sshrl.u32 s7, $0x3  }
0xc: {  	s4 =	sshrl.u32 s25, $0x3;
	s11 =	sadd.s32 s7, s5;
	s7 =	sadd.s32 s26, s5  }
0xd: {  	s12 =	sadd.s32 s4, s5;
	s5 =	sor.u32 $0x1C02, s30;
	s4 =	sadd.s32 $0xA6400, s7  }
0xe: {  	s6 =	sadd.s32 $0x42400, s12;
	s7 =	smax.u32 s8, $0x1;
	s8 =	sadd.s32 $0x6DC400, s31  }
0xf: {  	s9 =	sadd.s32 $0x38400, s11;
	s11 =	simm.s32 $0x2;
	s12 =	simm.s32 $0x100  }
.LBB2_1:
0x10: {  	[spmem:s10], [sflag:s5] =	dma.local [hbm:s4], $0x2D00  }
0x11: {  	_ =	swait.ge [sflag:s11], $0x2D00  }
0x12: {  	[sflag:s11] =	ssyncset.done $0x0  }
0x13: {  	[sflag:s11] =	ssyncadd.s32 $0xFFFFD300  }
0x14: {  	s17 =	sadd.s32 $0x0, s9;
	[bflag:$0x0] =	sbarrier.arrive $0xFFFF  }
0x15: {  	[tilespmem:s3], [sflag:$0x2] =	stream.linear.gather [hbm4b:s17+s3], $0x100, $0x38;
	[tilespmem:$0x1F900] =	vst v63  }
0x16: {  	_ =	swait.ge [sflag:s11], $0x100  }
0x17: {  	[sflag:s11] =	ssyncset.done $0x0  }
0x18: {  	[sflag:s11] =	ssyncadd.s32 $0xFFFFFF00  }
0x19: {  	[tilespmem:s12], [sflag:$0x2] =	stream.linear.gather [hbm4b:s8+s3], $0x9000, $0x38;
	[tilespmem:$0x1F900] =	vst v63  }
0x1a: {  	_ =	swait.ge [sflag:s11], $0x9000  }
0x1b: {  	[sflag:s11] =	ssyncset.done $0x0  }
0x1c: {  	[sflag:s11] =	ssyncadd.s32 $0xFFFF7000  }
0x1d: {  	[spmem:s2] =	stream.indirect.scatter.add.f32 [tilespmem:s12], [sflag:$0x1], $0x90, s3, s13, $0xb8;
	[tilespmem:$0x1F900] =	vst v63  }
0x1e: {  	_ = 	snop  }
0x1f: {  	[spmem:s2] =	stream.indirect.scatter.add.f32 [tilespmem:s14], [sflag:$0x1], $0x90, s13, s13, $0xb8;
	[tilespmem:$0x1F900] =	vst v63  }
0x20: {  	_ =	swait.ge [sflag:s15], $0x4800  }
0x21: {  	[sflag:s15] =	ssyncset.done $0x0  }
0x22: {  	[sflag:s15] =	ssyncadd.s32 $0xFFFFB800  }
0x23: {  	s18 =	simm.s32 $0x20;
	_ =	swait.ge [sflag:s15], $0x4800  }
0x24: {  	s19 =	simm.s32 $0x40;
	s17 =	sadd.s32 $0x1200, s8;
	[sflag:s15] =	ssyncset.done $0x0  }
.LBB2_2:
0x25: {  	s20 =	sadd.s32 s18, s9  }
0x26: {  	[sflag:s15] =	ssyncadd.s32 $0xFFFFB800;
	s18 =	smov.u32 s19;
	s21 =	sadd.s32 $0x20, s19  }
0x27: {  	[tilespmem:s3], [sflag:$0x2] =	stream.linear.gather [hbm4b:s20+s3], $0x100, $0x38;
	[tilespmem:$0x1F900] =	vst v63  }
0x28: {  	p0 =	sne.s32 s19, $0x4E0;
	_ =	swait.ge [sflag:s11], $0x100  }
0x29: {  	[sflag:s11] =	ssyncset.done $0x0  }
0x2a: {  	[sflag:s11] =	ssyncadd.s32 $0xFFFFFF00  }
0x2b: {  	[tilespmem:s12], [sflag:$0x2] =	stream.linear.gather [hbm4b:s17+s3], $0x9000, $0x38;
	[tilespmem:$0x1F900] =	vst v63  }
0x2c: {  	_ =	swait.ge [sflag:s11], $0x9000  }
0x2d: {  	[sflag:s11] =	ssyncset.done $0x0  }
0x2e: {  	[sflag:s11] =	ssyncadd.s32 $0xFFFF7000  }
0x2f: {  	[spmem:s2] =	stream.indirect.scatter.add.f32 [tilespmem:s12], [sflag:$0x1], $0x90, s3, s13, $0xb8;
	[tilespmem:$0x1F900] =	vst v63  }
0x30: {  	_ = 	snop  }
0x31: {  	[spmem:s2] =	stream.indirect.scatter.add.f32 [tilespmem:s14], [sflag:$0x1], $0x90, s13, s13, $0xb8;
	[tilespmem:$0x1F900] =	vst v63  }
.Ltmp0:
0x32: {  	_ =	swait.ge [sflag:s15], $0x4800;
	(pc) =	sbr.rel @p0 .LBB2_2-.Ltmp0, $4  }
0x33: {  	[sflag:s15] =	ssyncset.done $0x0  }
0x34: {  	[sflag:s15] =	ssyncadd.s32 $0xFFFFB800  }
0x35: {  	_ =	swait.ge [sflag:s15], $0x4800  }
0x36: {  	s19 =	smov.u32 s21;
	s17 =	sadd.s32 $0x1200, s17;
	[sflag:s15] =	ssyncset.done $0x0  }
0x37: {  	s18 =	sadd.s32 s18, s9;
	[sflag:s15] =	ssyncadd.s32 $0xFFFFB800  }
0x38: {  	[tilespmem:s3], [sflag:$0x2] =	stream.linear.gather [hbm4b:s18+s3], $0x100, $0x38;
	[tilespmem:$0x1F900] =	vst v63  }
0x39: {  	_ =	swait.ge [sflag:s11], $0x100  }
0x3a: {  	[sflag:s11] =	ssyncset.done $0x0  }
0x3b: {  	[sflag:s11] =	ssyncadd.s32 $0xFFFFFF00  }
0x3c: {  	[tilespmem:s12], [sflag:$0x2] =	stream.linear.gather [hbm4b:s17+s3], $0x9000, $0x38;
	[tilespmem:$0x1F900] =	vst v63  }
0x3d: {  	_ =	swait.ge [sflag:s11], $0x9000  }
0x3e: {  	[sflag:s11] =	ssyncset.done $0x0  }
0x3f: {  	[sflag:s11] =	ssyncadd.s32 $0xFFFF7000  }
0x40: {  	[spmem:s2] =	stream.indirect.scatter.add.f32 [tilespmem:s12], [sflag:$0x1], $0x90, s3, s13, $0xb8;
	[tilespmem:$0x1F900] =	vst v63  }
0x41: {  	_ = 	snop  }
0x42: {  	[spmem:s2] =	stream.indirect.scatter.add.f32 [tilespmem:s14], [sflag:$0x1], $0x90, s13, s13, $0xb8;
	[tilespmem:$0x1F900] =	vst v63  }
0x43: {  	_ =	swait.ge [sflag:s15], $0x4800  }
0x44: {  	[sflag:s15] =	ssyncset.done $0x0  }
0x45: {  	[sflag:s15] =	ssyncadd.s32 $0xFFFFB800  }
0x46: {  	_ =	swait.ge [sflag:s15], $0x4800  }
0x47: {  	s16 =	sadd.s32 $0x1, s16;
	[sflag:s15] =	ssyncset.done $0x0  }
0x48: {  	p0 =	sne.s32 s16, s7;
	[sflag:s15] =	ssyncadd.s32 $0xFFFFB800  }
.Ltmp1:
0x49: {  	[bflag:$0x0] =	sbarrier.arrive $0xFFFF;
	(pc) =	sbr.rel @p0 .LBB2_1-.Ltmp1, $4  }
0x4a: {  	[hbm:s6], [sflag:s5] =	dma.local [spmem:s10], $0x2D00  }
0x4b: {  	_ =	swait.ge [sflag:s11], $0x2D00  }
0x4c: {  	[sflag:s11] =	ssyncset.done $0x0  }
0x4d: {  	[sflag:s11] =	ssyncadd.s32 $0xFFFFD300  }
0x4e: {  	_ =	sfence.sel $0x180000  }
0x4f: {  	[bflag:$0x0] =	sbarrier.arrive $0xFFFF  }
0x50: {  	p0 =	sne.s32 s0, $0x0;
	_ =	strace $0x90000050  }
0x51: {  	s0 =	sadd.s32 @!p0 $0x100000, s1;
	[bflag:$0x2] =	sbarrier.arrive $0xFFFF  }
0x52: {  	[sflag:s0] =	ssyncadd.tile.s32 @!p0 $0x1;
	_ =	shalt  }
.Lfunc_end2:
_tile_overlayer_lowered:
.L_overlay_start_2:
0x53: {  	(tag) =	ssettag $0x2  }
0x54: {  	s0 =	rddreg [dreg:$0x0];
	s2 =	stileid.u32  }
0x55: {  	s1 =	rddreg [dreg:$0x1];
	p0 =	sne.s32 s2, $0x0  }
0x56: {  	s3 =	rddreg [dreg:$0x2];
	[bflag:$0x3] =	sbarrier.arrive $0xFFFF;
	s2 =	simm.s32 @!p0 $0x1C02  }
0x57: {  	[timem:s3], [sflag:s2] =	dma.local @!p0 [hbm:s0], s1  }
0x58: {  	s0 =	simm.s32 @!p0 $0x2  }
0x59: {  	_ =	swait.ge @!p0 [sflag:s0], s1  }
0x5a: {  	s1 =	ssub.s32 @!p0 $0x0, s1;
	[sflag:s0] =	ssyncset.done @!p0 $0x0  }
0x5b: {  	[sflag:s0] =	ssyncadd.s32 @!p0 s1  }
0x5c: {  	[bflag:$0x3] =	sbarrier.arrive $0xFFFF  }
0x5d: {  	_ =	shalt  }

// kernel: kernel.16.cloned.1.call-start
scs
__scs_entry_jumppad:
0x0: {  	(pc) =	sbr.rel $0x88, $3  }
0x1: {  	(tag) =	ssettag $0x0;
	lr =	simm.s32 $0x1  }
0x2: {  	[smem:$0x3F93] =	sst lr;
	_ =	strace $0xD0000000  }
0x3: {  	_ = 	snop  }
0x4: {  	_ = 	snop  }
0x5: {  	_ = 	snop  }
0x6: {  	_ = 	snop  }
0x7: {  	_ = 	snop  }
__scs_overlays_trampoline_lowered:
0x8: {  	[smem:$0x3FA2] =	sst s0  }
0x9: {  	[smem:$0x3FA3] =	sst s1  }
0xa: {  	[smem:$0x3FA4] =	sst s2  }
0xb: {  	[smem:$0x3FA5] =	sst s3  }
0xc: {  	[smem:$0x3FA6] =	sst s4  }
0xd: {  	[smem:$0x3FA7] =	sst s5  }
0xe: {  	[smem:$0x3FA8] =	sst s6  }
0xf: {  	[smem:$0x3FA9] =	sst s7  }
0x10: {  	[smem:$0x3FAA] =	sst s8  }
0x11: {  	[smem:$0x3FAB] =	sst s9;
	s0 =	simm.s32 @!p0 $0x0  }
0x12: {  	s1 =	sld [smem:$0x3F91];
	s0 =	simm.s32 @p0 $0x1  }
0x13: {  	[smem:$0x3FAC] =	sst s0;
	s0 =	simm.s32 @!p1 $0x0  }
0x14: {  	s2 =	sld [smem:$0x3F90];
	s0 =	simm.s32 @p1 $0x1  }
0x15: {  	[smem:$0x3FAD] =	sst s0;
	s0 =	simm.s32 @!p2 $0x0  }
0x16: {  	s3 =	sld [smem:$0x3FDB];
	s0 =	simm.s32 @p2 $0x1  }
0x17: {  	s4 =	simm.s32 $0x1BF5;
	[smem:$0x3FAF] =	sst s0  }
0x18: {  	s0 =	sld [smem:$0x3F92];
	_ =	swait.ge [sflag:s4], $0x0  }
0x19: {  	s7 =	sld [smem:$0x3F93]  }
0x1a: {  	s8 =	sadd.s32 $0xFFFFE003, lr  }
0x1b: {  	s9 =	sadd.s32 $0xFFFFFEF7, lr;
	s5 =	simm.s32 $0xFFFFFFFF;
	p2 =	slt.u32 s8, $0xFFFFF086  }
0x1c: {  	p1 =	slt.u32 s9, $0xF7A;
	s5 =	simm.s32 @!p2 $0x0  }
0x1d: {  	s5 =	simm.s32 @p1 $0x1;
	p0 =	seq.s32 s7, s2  }
0x1e: {  	s7 =	smul.u32 @!p0 $0xF7A, s2;
	p2 =	seq.s32 @!p0 s5, $0x0  }
0x1f: {  	s9 =	smul.u32 $0xF7A, s1;
	s8 =	simm.s32 @!p0 $0x1BF5;
	p2 =	por !p2, p0  }
0x20: {  	[sflag:s8] =	ssyncset.s32 @!p0 $0xFFFFF086;
	s6 =	sadd.s32 @!p0 s3, s7;
	s7 =	simm.s32 @!p0 $0x108  }
0x21: {  	s3 =	sadd.s32 s3, s9;
	s6 =	sadd.s32 @!p0 $0x88, s6;
	s7 =	simm.s32 @p2 $0x1082  }
0x22: {  	[simem:s7], [sflag:s8] =	dma.local @!p0 [hbm:s6], $0xF7A  }
0x23: {  	s9 =	sor.u32 $0xD0000000, s2;
	s6 =	simm.s32 $0x108;
	_ =	swait.ge @!p0 [sflag:s8], $0x0  }
0x24: {  	s3 =	sadd.s32 $0x88, s3;
	s6 =	simm.s32 @!p1 $0x1082;
	[sflag:s4] =	ssyncset.s32 $0xFFFFF086  }
0x25: {  	[simem:s6], [sflag:s4] =	dma.local [hbm:s3], $0xF7A  }
0x26: {  	[smem:$0x3F93] =	sst s1;
	(tag) =	ssettag s2;
	_ =	strace s9  }
0x27: {  	s1 =	sld [smem:$0x3FA3]  }
0x28: {  	s2 =	sld [smem:$0x3FA4]  }
0x29: {  	s4 =	sld [smem:$0x3FA6]  }
0x2a: {  	p0 =	seq.s32 s5, $0x0;
	s5 =	sld [smem:$0x3FA7]  }
0x2b: {  	s6 =	sld [smem:$0x3FA8]  }
0x2c: {  	s7 =	sld [smem:$0x3FA9]  }
0x2d: {  	s3 =	simm.s32 $0x108;
	s8 =	sld [smem:$0x3FAA]  }
0x2e: {  	s3 =	simm.s32 @!p0 $0x1082;
	s9 =	sld [smem:$0x3FAB]  }
0x2f: {  	lr =	sadd.s32 s0, s3;
	s0 =	sld [smem:$0x3FA2]  }
0x30: {  	s3 =	sld [smem:$0x3FA5]  }
0x31: {  	[smem:$0x3FAE] =	sst s10  }
0x32: {  	s10 =	sld [smem:$0x3FAC];
	_ =	sdelay $0x3  }
0x33: {  	p0 =	seq.s32 s10, $0x1;
	s10 =	sld [smem:$0x3FAE];
	_ =	sdelay $0x3  }
0x34: {  	[smem:$0x3FAE] =	sst s10  }
0x35: {  	s10 =	sld [smem:$0x3FAD];
	_ =	sdelay $0x3  }
0x36: {  	p1 =	seq.s32 s10, $0x1;
	s10 =	sld [smem:$0x3FAE];
	_ =	sdelay $0x3  }
0x37: {  	[smem:$0x3FAE] =	sst s10  }
0x38: {  	s10 =	sld [smem:$0x3FAF]  }
0x39: {  	_ = 	snop;
	(pc) =	sbr.ind lr, $3  }
0x3a: {  	_ = 	snop  }
0x3b: {  	_ = 	snop  }
0x3c: {  	p2 =	seq.s32 s10, $0x1;
	s10 =	sld [smem:$0x3FAE]  }
0x3d: {  	_ =	shalt  }
0x3e: {  	_ =	shalt  }
0x3f: {  	_ =	shalt  }
0x40: {  	_ =	shalt  }
0x41: {  	_ =	shalt  }
0x42: {  	_ =	shalt  }
0x43: {  	_ =	shalt  }
0x44: {  	_ =	shalt  }
0x45: {  	_ =	shalt  }
0x46: {  	_ =	shalt  }
0x47: {  	_ =	shalt  }
0x48: {  	_ =	shalt  }
0x49: {  	_ =	shalt  }
0x4a: {  	_ =	shalt  }
0x4b: {  	_ =	shalt  }
0x4c: {  	_ =	shalt  }
0x4d: {  	_ =	shalt  }
0x4e: {  	_ =	shalt  }
0x4f: {  	_ =	shalt  }
0x50: {  	_ =	shalt  }
0x51: {  	_ =	shalt  }
0x52: {  	_ =	shalt  }
0x53: {  	_ =	shalt  }
0x54: {  	_ =	shalt  }
0x55: {  	_ =	shalt  }
0x56: {  	_ =	shalt  }
0x57: {  	_ =	shalt  }
0x58: {  	_ =	shalt  }
0x59: {  	_ =	shalt  }
0x5a: {  	_ =	shalt  }
0x5b: {  	_ =	shalt  }
0x5c: {  	_ =	shalt  }
0x5d: {  	_ =	shalt  }
0x5e: {  	_ =	shalt  }
0x5f: {  	_ =	shalt  }
0x60: {  	_ =	shalt  }
0x61: {  	_ =	shalt  }
0x62: {  	_ =	shalt  }
0x63: {  	_ =	shalt  }
0x64: {  	_ =	shalt  }
0x65: {  	_ =	shalt  }
0x66: {  	_ =	shalt  }
0x67: {  	_ =	shalt  }
0x68: {  	_ =	shalt  }
0x69: {  	_ =	shalt  }
0x6a: {  	_ =	shalt  }
0x6b: {  	_ =	shalt  }
0x6c: {  	_ =	shalt  }
0x6d: {  	_ =	shalt  }
0x6e: {  	_ =	shalt  }
0x6f: {  	_ =	shalt  }
0x70: {  	_ =	shalt  }
0x71: {  	_ =	shalt  }
0x72: {  	_ =	shalt  }
0x73: {  	_ =	shalt  }
0x74: {  	_ =	shalt  }
0x75: {  	_ =	shalt  }
0x76: {  	_ =	shalt  }
0x77: {  	_ =	shalt  }
0x78: {  	_ =	shalt  }
0x79: {  	_ =	shalt  }
0x7a: {  	_ =	shalt  }
0x7b: {  	_ =	shalt  }
0x7c: {  	_ =	shalt  }
0x7d: {  	_ =	shalt  }
0x7e: {  	_ =	shalt  }
0x7f: {  	_ =	shalt  }
0x80: {  	_ =	shalt  }
0x81: {  	_ =	shalt  }
0x82: {  	_ =	shalt  }
0x83: {  	_ =	shalt  }
0x84: {  	_ =	shalt  }
0x85: {  	_ =	shalt  }
0x86: {  	_ =	shalt  }
0x87: {  	_ =	shalt  }
.Lfunc_end0:
.L_simem_size_0:
called_computation.2_lowered:
.L_overlay_start_0:
0x88: {  	s2 =	sld [smem:$0x3FD9]  }
0x89: {  	s3 =	sld [smem:$0x3FFE];
	_ =	sdelay $0x1  }
0x8a: {  	s1 =	srdreg.scid  }
0x8b: {  	s0 =	sand.u32 $0x1, s1  }
0x8c: {  	s16 =	sshll.u32 s0, $0xA;
	s2 =	sadd.s32 s3, s2  }
0x8d: {  	s2 =	sadd.s32 s2, s16  }
0x8e: {  	[smem:$0x3FBA] =	sst s2  }
0x8f: {  	_ = 	snop  }
0x90: {  	(tm) =	ssettm $0x1  }
0x91: {  	s17 =	sld [smem:$0x3FFB];
	_ =	sdelay $0x3  }
0x92: {  	_ =	strace s17  }
0x93: {  	s2 =	sld [smem:$0x3FFC];
	_ =	sdelay $0x3  }
0x94: {  	_ =	strace s2  }
0x95: {  	s2 =	sld [smem:$0x3FFD];
	_ =	sdelay $0x3  }
0x96: {  	_ =	strace s2  }
0x97: {  	_ =	strace $0x8FFFFFFF  }
0x98: {  	s18 =	sld [smem:$0x3FDB];
	_ =	sdelay $0x1  }
0x99: {  	s19 =	simm.s32 $_scs_section_size  }
0x9a: {  	s4 =	simm.s32 $_size__tile_overlayer_lowered;
	s5 =	simm.s32 $_tile_overlayer_lowered  }
0x9b: {  	s22 =	simm.s32 $0x1BFF;
	s21 =	sshll.u32 s5, $0x1;
	s2 =	sadd.s32 s19, s18  }
0x9c: {  	s6 =	simm.s32 $0x0;
	s20 =	sshll.u32 s4, $0x1;
	s4 =	sadd.s32 s21, s2  }
0x9d: {  	[timem:s6], [sflag:s22] =	dma.local [hbm:s4], s20  }
0x9e: {  	_ =	swait.ge [sflag:s22], s20  }
0x9f: {  	s3 =	ssub.s32 $0x0, s20;
	[sflag:s22] =	ssyncset.done $0x0  }
0xa0: {  	[sflag:s22] =	ssyncadd.s32 s3;
	_ =	sdelay $0x1  }
0xa1: {  	s23 =	simm.s32 $0x1B8B  }
0xa2: {  	_ =	swait.ge [sflag:s23], $0x1  }
0xa3: {  	[sflag:s23] =	ssyncset.done $0x0  }
0xa4: {  	s25 =	simm.s32 $0x1B8E;
	s24 =	sld [smem:$0x3FFE];
	[sflag:s23] =	ssyncadd.s32 $0xFFFFFFFF  }
0xa5: {  	s26 =	simm.s32 $execute0_lowered;
	[smem:$0x3FD2] =	sst s25  }
0xa6: {  	s4 =	sshll.u32 s26, $0x1;
	_ =	strace $0x80000046;
	[dreg:$0x1] =	wrdreg $0xFFFFFFFF  }
0xa7: {  	s28 =	simm.s32 $_size_execute0_lowered;
	s2 =	sadd.s32 s2, s4;
	[dreg:$0x0] =	wrdreg $0x0  }
0xa8: {  	s4 =	sshll.u32 s28, $0x1;
	[dreg:$0x2] =	wrdreg s2  }
0xa9: {  	[dreg:$0x3] =	wrdreg s4  }
0xaa: {  	[dreg:$0x4] =	wrdreg $0xC0  }
0xab: {  	_ =	task [dreg:s6], $0x5FFFF  }
0xac: {  	[dreg:$0x1] =	wrdreg $0xFFFFFFFF  }
0xad: {  	[dreg:$0x0] =	wrdreg $0x60  }
0xae: {  	[dreg:$0x2] =	wrdreg s24  }
0xaf: {  	[dreg:$0x3] =	wrdreg $0xA  }
0xb0: {  	_ =	task.clear_ibuf [dreg:s6], $0x4FFFF;
	_ =	strace $0x90000046  }
0xb1: {  	s29 =	simm.s32 $0xA;
	_ =	strace $0x80000048  }
0xb2: {  	_ =	swait.ge [sflag:s29], $0x1  }
0xb3: {  	[sflag:s29] =	ssyncadd.s32 $0xFFFFFFFF  }
0xb4: {  	_ =	strace $0x90000048  }
0xb5: {  	_ =	sfence  }
0xb6: {  	s30 =	sld [smem:$0x0];
	_ =	sdelay $0x2  }
0xb7: {  	s31 =	sshll.u32 s1, $0xD;
	s1 =	sshrl.u32 s1, $0x2  }
0xb8: {  	s3 =	sand.u32 $0x4000, s31;
	s1 =	sadd.s32 s1, s30  }
0xb9: {  	s0 =	sor.u32 s3, s0;
	s1 =	sshll.u32 s1, $0x11  }
0xba: {  	s0 =	sor.u32 s1, s0  }
0xbb: {  	s0 =	sadd.s32 $0x8F2B, s0  }
0xbc: {  	[sflag:s0] =	ssyncadd.remote.s32 $0x1  }
0xbd: {  	_ =	sfence.sel $0xFFFF  }
0xbe: {  	[dreg:$0x0] =	wrdreg $0xFFFFFFFF;
	(pc) =	sbr.abs _section_cstart, $3  }
0xbf: {  	[dreg:$0x1] =	wrdreg $0xFFFFFFFF  }
0xc0: {  	_ =	task.clear_ibuf [dreg:s6], $0x2FFFF;
	_ =	strace $0x9FFFFFFF  }
0xc1: {  	(tm) =	ssettm $0x7FFFFFFF  }
tec
execute0_lowered:
.L_overlay_start_1:
0x0: {  	(tag) =	ssettag $0x1  }
0x1: {  	s1 =	srdreg.scid  }
0x2: {  	s0 =	stileid.u32;
	s5 =	rddreg [dreg:$0x0];
	s2 =	simm.s32 $0x0  }
0x3: {  	s10 =	simm.s32 $0x2800;
	s11 =	simm.s32 $0x80;
	s12 =	simm.s32 $0x5000  }
0x4: {  	s13 =	simm.s32 $0x9800;
	s14 =	simm.s32 $0xE000;
	s15 =	simm.s32 $0x12800  }
0x5: {  	s16 =	simm.s32 $0x1;
	s17 =	simm.s32 $0x0;
	s6 =	sand.u32 $0x1, s1  }
0x6: {  	s3 =	sshll.u32 s0, $0x1;
	s1 =	rddreg [dreg:$0x1];
	s8 =	smul.u32 $0x5A000, s0  }
0x7: {  	s3 =	sor.u32 s6, s3;
	s9 =	ssub.s32 $0x2, s6;
	s6 =	smul.u32 $0x2D000, s6  }
0x8: {  	[smem:$0x7FF] =	sst s2;
	s4 =	sadd.s32 $0xE2400, s5;
	s7 =	smul.u32 $0x500, s3  }
0x9: {  	_ =	strace $0x80000047;
	s3 =	sadd.s32 $0x42400, s5;
	s8 =	sadd.s32 s8, s5  }
0xa: {  	s31 =	sshrl.u32 s9, $0x1;
	s8 =	sadd.s32 s6, s8;
	s7 =	sadd.s32 s7, s5  }
0xb: {  	s9 =	ssub.s32 s9, s31;
	s8 =	sadd.s32 $0x13C400, s8;
	s5 =	sadd.s32 $0x7000, s7  }
0xc: {  	s6 =	sadd.s32 $0x11000, s7;
	s7 =	smax.u32 s9, $0x1;
	s9 =	simm.s32 $0x2  }
.LBB2_1:
0xd: {  	[tilespmem:s2], [sflag:$0x2] =	stream.linear.gather [hbm4b:s5+s2], $0x2800, $0x38;
	[tilespmem:$0x17000] =	vst v63  }
0xe: {  	_ =	swait.ge [sflag:s9], $0x2800  }
0xf: {  	[sflag:s9] =	ssyncset.done $0x0  }
0x10: {  	[sflag:s9] =	ssyncadd.s32 $0xFFFFD800  }
0x11: {  	[tilespmem:s10], [sflag:$0x2] =	stream.linear.gather [hbm4b:s6+s2], $0x2800, $0x38;
	[tilespmem:$0x17000] =	vst v63  }
0x12: {  	_ =	swait.ge [sflag:s9], $0x2800  }
0x13: {  	[sflag:s9] =	ssyncset.done $0x0  }
0x14: {  	s18 =	simm.s32 $0x0;
	[sflag:s9] =	ssyncadd.s32 $0xFFFFD800  }
0x15: {  	[tilespmem:s12], [sflag:$0x1] =	stream.indirect.gather [hbm4b:s3+s11], $0x90, s18, s11, $0xb8;
	[tilespmem:$0x17000] =	vst v63  }
0x16: {  	s24 =	simm.s32 $0x80  }
0x17: {  	[tilespmem:s13], [sflag:$0x1] =	stream.indirect.gather [hbm4b:s3+s11], $0x90, s24, s11, $0xb8;
	[tilespmem:$0x17000] =	vst v63  }
0x18: {  	s25 =	simm.s32 $0x100  }
0x19: {  	[tilespmem:s14], [sflag:$0x1] =	stream.indirect.gather [hbm4b:s3+s11], $0x90, s25, s11, $0xb8;
	[tilespmem:$0x17000] =	vst v63  }
0x1a: {  	s26 =	simm.s32 $0x180  }
0x1b: {  	[tilespmem:s15], [sflag:$0x1] =	stream.indirect.gather [hbm4b:s3+s11], $0x90, s26, s11, $0xb8;
	[tilespmem:$0x17000] =	vst v63  }
0x1c: {  	_ =	swait.ge [sflag:s16], $0x4800  }
0x1d: {  	[sflag:s16] =	ssyncset.done $0x0  }
0x1e: {  	[sflag:s16] =	ssyncadd.s32 $0xFFFFB800  }
0x1f: {  	_ =	swait.ge [sflag:s16], $0x4800  }
0x20: {  	[sflag:s16] =	ssyncset.done $0x0  }
0x21: {  	[sflag:s16] =	ssyncadd.s32 $0xFFFFB800  }
0x22: {  	_ =	swait.ge [sflag:s16], $0x4800  }
0x23: {  	[sflag:s16] =	ssyncset.done $0x0  }
0x24: {  	[sflag:s16] =	ssyncadd.s32 $0xFFFFB800  }
0x25: {  	_ =	swait.ge [sflag:s16], $0x4800  }
0x26: {  	[sflag:s16] =	ssyncset.done $0x0  }
0x27: {  	s28 =	simm.s32 $0x2800;
	[sflag:s16] =	ssyncadd.s32 $0xFFFFB800  }
0x28: {  	[tilespmem:s12], [sflag:$0x1] =	stream.indirect.gather.add.f32 [hbm:s4], $0x90, s28, s11, $0xb8;
	[tilespmem:$0x17000] =	vst v63  }
0x29: {  	s29 =	simm.s32 $0x2880  }
0x2a: {  	[tilespmem:s13], [sflag:$0x1] =	stream.indirect.gather.add.f32 [hbm:s4], $0x90, s29, s11, $0xb8;
	[tilespmem:$0x17000] =	vst v63  }
0x2b: {  	s30 =	simm.s32 $0x2900  }
0x2c: {  	[tilespmem:s14], [sflag:$0x1] =	stream.indirect.gather.add.f32 [hbm:s4], $0x90, s30, s11, $0xb8;
	[tilespmem:$0x17000] =	vst v63  }
0x2d: {  	s31 =	simm.s32 $0x2980  }
0x2e: {  	[tilespmem:s15], [sflag:$0x1] =	stream.indirect.gather.add.f32 [hbm:s4], $0x90, s31, s11, $0xb8;
	[tilespmem:$0x17000] =	vst v63  }
0x2f: {  	_ =	swait.ge [sflag:s16], $0x4800  }
0x30: {  	[sflag:s16] =	ssyncset.done $0x0  }
0x31: {  	[sflag:s16] =	ssyncadd.s32 $0xFFFFB800  }
0x32: {  	_ =	swait.ge [sflag:s16], $0x4800  }
0x33: {  	[sflag:s16] =	ssyncset.done $0x0  }
0x34: {  	[sflag:s16] =	ssyncadd.s32 $0xFFFFB800  }
0x35: {  	_ =	swait.ge [sflag:s16], $0x4800  }
0x36: {  	[sflag:s16] =	ssyncset.done $0x0  }
0x37: {  	[sflag:s16] =	ssyncadd.s32 $0xFFFFB800  }
0x38: {  	_ =	swait.ge [sflag:s16], $0x4800  }
0x39: {  	[sflag:s16] =	ssyncset.done $0x0  }
0x3a: {  	[sflag:s16] =	ssyncadd.s32 $0xFFFFB800  }
0x3b: {  	[hbm4b:s8+s2] =	stream.linear.scatter [tilespmem:s12], [sflag:$0x2], $0x12000, $0x38;
	[tilespmem:$0x17000] =	vst v63  }
0x3c: {  	s19 =	simm.s32 $0x800;
	_ =	swait.ge [sflag:s9], $0x12000  }
0x3d: {  	s21 =	simm.s32 $0x1000;
	s18 =	sadd.s32 $0x2400, s8;
	[sflag:s9] =	ssyncset.done $0x0  }
.LBB2_2:
0x3e: {  	s22 =	sshra.s32 s19, $0x2  }
0x3f: {  	[sflag:s9] =	ssyncadd.s32 $0xFFFEE000;
	s19 =	smov.u32 s21;
	s20 =	sadd.s32 $0x800, s21  }
0x40: {  	[tilespmem:s12], [sflag:$0x1] =	stream.indirect.gather [hbm4b:s3+s11], $0x90, s22, s11, $0xb8;
	[tilespmem:$0x17000] =	vst v63  }
0x41: {  	p0 =	sne.s32 s21, $0x9800;
	s21 =	sadd.s32 $0x80, s22  }
0x42: {  	[tilespmem:s13], [sflag:$0x1] =	stream.indirect.gather [hbm4b:s3+s11], $0x90, s21, s11, $0xb8;
	[tilespmem:$0x17000] =	vst v63  }
0x43: {  	s21 =	sadd.s32 $0x100, s22  }
0x44: {  	[tilespmem:s14], [sflag:$0x1] =	stream.indirect.gather [hbm4b:s3+s11], $0x90, s21, s11, $0xb8;
	[tilespmem:$0x17000] =	vst v63  }
0x45: {  	s21 =	sadd.s32 $0x180, s22  }
0x46: {  	[tilespmem:s15], [sflag:$0x1] =	stream.indirect.gather [hbm4b:s3+s11], $0x90, s21, s11, $0xb8;
	[tilespmem:$0x17000] =	vst v63  }
0x47: {  	_ =	swait.ge [sflag:s16], $0x4800  }
0x48: {  	[sflag:s16] =	ssyncset.done $0x0  }
0x49: {  	[sflag:s16] =	ssyncadd.s32 $0xFFFFB800  }
0x4a: {  	_ =	swait.ge [sflag:s16], $0x4800  }
0x4b: {  	[sflag:s16] =	ssyncset.done $0x0  }
0x4c: {  	[sflag:s16] =	ssyncadd.s32 $0xFFFFB800  }
0x4d: {  	_ =	swait.ge [sflag:s16], $0x4800  }
0x4e: {  	[sflag:s16] =	ssyncset.done $0x0  }
0x4f: {  	[sflag:s16] =	ssyncadd.s32 $0xFFFFB800  }
0x50: {  	_ =	swait.ge [sflag:s16], $0x4800  }
0x51: {  	[sflag:s16] =	ssyncset.done $0x0  }
0x52: {  	s21 =	sadd.s32 $0x2800, s22;
	[sflag:s16] =	ssyncadd.s32 $0xFFFFB800  }
0x53: {  	[tilespmem:s12], [sflag:$0x1] =	stream.indirect.gather.add.f32 [hbm:s4], $0x90, s21, s11, $0xb8;
	[tilespmem:$0x17000] =	vst v63  }
0x54: {  	s21 =	sadd.s32 $0x2880, s22  }
0x55: {  	[tilespmem:s13], [sflag:$0x1] =	stream.indirect.gather.add.f32 [hbm:s4], $0x90, s21, s11, $0xb8;
	[tilespmem:$0x17000] =	vst v63  }
0x56: {  	s21 =	sadd.s32 $0x2900, s22  }
0x57: {  	[tilespmem:s14], [sflag:$0x1] =	stream.indirect.gather.add.f32 [hbm:s4], $0x90, s21, s11, $0xb8;
	[tilespmem:$0x17000] =	vst v63  }
0x58: {  	s21 =	sadd.s32 $0x2980, s22  }
0x59: {  	[tilespmem:s15], [sflag:$0x1] =	stream.indirect.gather.add.f32 [hbm:s4], $0x90, s21, s11, $0xb8;
	[tilespmem:$0x17000] =	vst v63  }
0x5a: {  	_ =	swait.ge [sflag:s16], $0x4800  }
0x5b: {  	[sflag:s16] =	ssyncset.done $0x0  }
0x5c: {  	[sflag:s16] =	ssyncadd.s32 $0xFFFFB800  }
0x5d: {  	_ =	swait.ge [sflag:s16], $0x4800  }
0x5e: {  	[sflag:s16] =	ssyncset.done $0x0  }
0x5f: {  	[sflag:s16] =	ssyncadd.s32 $0xFFFFB800  }
0x60: {  	_ =	swait.ge [sflag:s16], $0x4800  }
0x61: {  	[sflag:s16] =	ssyncset.done $0x0  }
0x62: {  	[sflag:s16] =	ssyncadd.s32 $0xFFFFB800  }
0x63: {  	_ =	swait.ge [sflag:s16], $0x4800  }
.Ltmp0:
0x64: {  	[sflag:s16] =	ssyncset.done $0x0;
	(pc) =	sbr.rel @p0 .LBB2_2-.Ltmp0, $4  }
0x65: {  	[sflag:s16] =	ssyncadd.s32 $0xFFFFB800  }
0x66: {  	[hbm4b:s18+s2] =	stream.linear.scatter [tilespmem:s12], [sflag:$0x2], $0x12000, $0x38;
	[tilespmem:$0x17000] =	vst v63  }
0x67: {  	_ =	swait.ge [sflag:s9], $0x12000  }
0x68: {  	s21 =	smov.u32 s20;
	s18 =	sadd.s32 $0x2400, s18;
	[sflag:s9] =	ssyncset.done $0x0  }
0x69: {  	s19 =	sshra.s32 s19, $0x2;
	[sflag:s9] =	ssyncadd.s32 $0xFFFEE000  }
0x6a: {  	[tilespmem:s12], [sflag:$0x1] =	stream.indirect.gather [hbm4b:s3+s11], $0x90, s19, s11, $0xb8;
	[tilespmem:$0x17000] =	vst v63  }
0x6b: {  	s20 =	sadd.s32 $0x80, s19  }
0x6c: {  	[tilespmem:s13], [sflag:$0x1] =	stream.indirect.gather [hbm4b:s3+s11], $0x90, s20, s11, $0xb8;
	[tilespmem:$0x17000] =	vst v63  }
0x6d: {  	s26 =	sadd.s32 $0x100, s19  }
0x6e: {  	[tilespmem:s14], [sflag:$0x1] =	stream.indirect.gather [hbm4b:s3+s11], $0x90, s26, s11, $0xb8;
	[tilespmem:$0x17000] =	vst v63  }
0x6f: {  	s28 =	sadd.s32 $0x180, s19  }
0x70: {  	[tilespmem:s15], [sflag:$0x1] =	stream.indirect.gather [hbm4b:s3+s11], $0x90, s28, s11, $0xb8;
	[tilespmem:$0x17000] =	vst v63  }
0x71: {  	_ =	swait.ge [sflag:s16], $0x4800  }
0x72: {  	[sflag:s16] =	ssyncset.done $0x0  }
0x73: {  	[sflag:s16] =	ssyncadd.s32 $0xFFFFB800  }
0x74: {  	_ =	swait.ge [sflag:s16], $0x4800  }
0x75: {  	[sflag:s16] =	ssyncset.done $0x0  }
0x76: {  	[sflag:s16] =	ssyncadd.s32 $0xFFFFB800  }
0x77: {  	_ =	swait.ge [sflag:s16], $0x4800  }
0x78: {  	[sflag:s16] =	ssyncset.done $0x0  }
0x79: {  	[sflag:s16] =	ssyncadd.s32 $0xFFFFB800  }
0x7a: {  	_ =	swait.ge [sflag:s16], $0x4800  }
0x7b: {  	[sflag:s16] =	ssyncset.done $0x0  }
0x7c: {  	s29 =	sadd.s32 $0x2800, s19;
	[sflag:s16] =	ssyncadd.s32 $0xFFFFB800  }
0x7d: {  	[tilespmem:s12], [sflag:$0x1] =	stream.indirect.gather.add.f32 [hbm:s4], $0x90, s29, s11, $0xb8;
	[tilespmem:$0x17000] =	vst v63  }
0x7e: {  	s30 =	sadd.s32 $0x2880, s19  }
0x7f: {  	[tilespmem:s13], [sflag:$0x1] =	stream.indirect.gather.add.f32 [hbm:s4], $0x90, s30, s11, $0xb8;
	[tilespmem:$0x17000] =	vst v63  }
0x80: {  	s31 =	sadd.s32 $0x2900, s19  }
0x81: {  	[tilespmem:s14], [sflag:$0x1] =	stream.indirect.gather.add.f32 [hbm:s4], $0x90, s31, s11, $0xb8;
	[tilespmem:$0x17000] =	vst v63  }
0x82: {  	s19 =	sadd.s32 $0x2980, s19  }
0x83: {  	[tilespmem:s15], [sflag:$0x1] =	stream.indirect.gather.add.f32 [hbm:s4], $0x90, s19, s11, $0xb8;
	[tilespmem:$0x17000] =	vst v63  }
0x84: {  	_ =	swait.ge [sflag:s16], $0x4800  }
0x85: {  	[sflag:s16] =	ssyncset.done $0x0  }
0x86: {  	[sflag:s16] =	ssyncadd.s32 $0xFFFFB800  }
0x87: {  	_ =	swait.ge [sflag:s16], $0x4800  }
0x88: {  	[sflag:s16] =	ssyncset.done $0x0  }
0x89: {  	[sflag:s16] =	ssyncadd.s32 $0xFFFFB800  }
0x8a: {  	_ =	swait.ge [sflag:s16], $0x4800  }
0x8b: {  	[sflag:s16] =	ssyncset.done $0x0  }
0x8c: {  	[sflag:s16] =	ssyncadd.s32 $0xFFFFB800  }
0x8d: {  	s17 =	sadd.s32 $0x1, s17;
	_ =	swait.ge [sflag:s16], $0x4800  }
0x8e: {  	p0 =	sne.s32 s17, s7;
	[sflag:s16] =	ssyncset.done $0x0  }
.Ltmp1:
0x8f: {  	[sflag:s16] =	ssyncadd.s32 $0xFFFFB800;
	(pc) =	sbr.rel @p0 .LBB2_1-.Ltmp1, $4  }
0x90: {  	[hbm4b:s18+s2] =	stream.linear.scatter [tilespmem:s12], [sflag:$0x2], $0x12000, $0x38;
	[tilespmem:$0x17000] =	vst v63  }
0x91: {  	_ =	swait.ge [sflag:s9], $0x12000  }
0x92: {  	[sflag:s9] =	ssyncset.done $0x0  }
0x93: {  	[sflag:s9] =	ssyncadd.s32 $0xFFFEE000  }
0x94: {  	_ =	sfence.sel $0x180000  }
0x95: {  	[bflag:$0x0] =	sbarrier.arrive $0xFFFF  }
0x96: {  	p0 =	sne.s32 s0, $0x0;
	_ =	strace $0x90000047  }
0x97: {  	s0 =	sadd.s32 @!p0 $0x100000, s1;
	[bflag:$0x2] =	sbarrier.arrive $0xFFFF  }
0x98: {  	[sflag:s0] =	ssyncadd.tile.s32 @!p0 $0x1;
	_ =	shalt  }
.Lfunc_end2:
_tile_overlayer_lowered:
.L_overlay_start_2:
0x99: {  	(tag) =	ssettag $0x2  }
0x9a: {  	s0 =	rddreg [dreg:$0x0];
	s2 =	stileid.u32  }
0x9b: {  	s1 =	rddreg [dreg:$0x1];
	p0 =	sne.s32 s2, $0x0  }
0x9c: {  	s3 =	rddreg [dreg:$0x2];
	[bflag:$0x3] =	sbarrier.arrive $0xFFFF;
	s2 =	simm.s32 @!p0 $0x1C02  }
0x9d: {  	[timem:s3], [sflag:s2] =	dma.local @!p0 [hbm:s0], s1  }
0x9e: {  	s0 =	simm.s32 @!p0 $0x2  }
0x9f: {  	_ =	swait.ge @!p0 [sflag:s0], s1  }
0xa0: {  	s1 =	ssub.s32 @!p0 $0x0, s1;
	[sflag:s0] =	ssyncset.done @!p0 $0x0  }
0xa1: {  	[sflag:s0] =	ssyncadd.s32 @!p0 s1  }
0xa2: {  	[bflag:$0x3] =	sbarrier.arrive $0xFFFF  }
0xa3: {  	_ =	shalt  }

// kernel: kernel.19.cloned.1.call-start
scs
__scs_entry_jumppad:
0x0: {  	(pc) =	sbr.rel $0x88, $3  }
0x1: {  	(tag) =	ssettag $0x0;
	lr =	simm.s32 $0x1  }
0x2: {  	[smem:$0x3F93] =	sst lr;
	_ =	strace $0xD0000000  }
0x3: {  	_ = 	snop  }
0x4: {  	_ = 	snop  }
0x5: {  	_ = 	snop  }
0x6: {  	_ = 	snop  }
0x7: {  	_ = 	snop  }
__scs_overlays_trampoline_lowered:
0x8: {  	[smem:$0x3FA2] =	sst s0  }
0x9: {  	[smem:$0x3FA3] =	sst s1  }
0xa: {  	[smem:$0x3FA4] =	sst s2  }
0xb: {  	[smem:$0x3FA5] =	sst s3  }
0xc: {  	[smem:$0x3FA6] =	sst s4  }
0xd: {  	[smem:$0x3FA7] =	sst s5  }
0xe: {  	[smem:$0x3FA8] =	sst s6  }
0xf: {  	[smem:$0x3FA9] =	sst s7  }
0x10: {  	[smem:$0x3FAA] =	sst s8  }
0x11: {  	[smem:$0x3FAB] =	sst s9;
	s0 =	simm.s32 @!p0 $0x0  }
0x12: {  	s1 =	sld [smem:$0x3F91];
	s0 =	simm.s32 @p0 $0x1  }
0x13: {  	[smem:$0x3FAC] =	sst s0;
	s0 =	simm.s32 @!p1 $0x0  }
0x14: {  	s2 =	sld [smem:$0x3F90];
	s0 =	simm.s32 @p1 $0x1  }
0x15: {  	[smem:$0x3FAD] =	sst s0;
	s0 =	simm.s32 @!p2 $0x0  }
0x16: {  	s3 =	sld [smem:$0x3FDB];
	s0 =	simm.s32 @p2 $0x1  }
0x17: {  	s4 =	simm.s32 $0x1BF5;
	[smem:$0x3FAF] =	sst s0  }
0x18: {  	s0 =	sld [smem:$0x3F92];
	_ =	swait.ge [sflag:s4], $0x0  }
0x19: {  	s7 =	sld [smem:$0x3F93]  }
0x1a: {  	s8 =	sadd.s32 $0xFFFFE003, lr  }
0x1b: {  	s9 =	sadd.s32 $0xFFFFFEF7, lr;
	s5 =	simm.s32 $0xFFFFFFFF;
	p2 =	slt.u32 s8, $0xFFFFF086  }
0x1c: {  	p1 =	slt.u32 s9, $0xF7A;
	s5 =	simm.s32 @!p2 $0x0  }
0x1d: {  	s5 =	simm.s32 @p1 $0x1;
	p0 =	seq.s32 s7, s2  }
0x1e: {  	s7 =	smul.u32 @!p0 $0xF7A, s2;
	p2 =	seq.s32 @!p0 s5, $0x0  }
0x1f: {  	s9 =	smul.u32 $0xF7A, s1;
	s8 =	simm.s32 @!p0 $0x1BF5;
	p2 =	por !p2, p0  }
0x20: {  	[sflag:s8] =	ssyncset.s32 @!p0 $0xFFFFF086;
	s6 =	sadd.s32 @!p0 s3, s7;
	s7 =	simm.s32 @!p0 $0x108  }
0x21: {  	s3 =	sadd.s32 s3, s9;
	s6 =	sadd.s32 @!p0 $0x88, s6;
	s7 =	simm.s32 @p2 $0x1082  }
0x22: {  	[simem:s7], [sflag:s8] =	dma.local @!p0 [hbm:s6], $0xF7A  }
0x23: {  	s9 =	sor.u32 $0xD0000000, s2;
	s6 =	simm.s32 $0x108;
	_ =	swait.ge @!p0 [sflag:s8], $0x0  }
0x24: {  	s3 =	sadd.s32 $0x88, s3;
	s6 =	simm.s32 @!p1 $0x1082;
	[sflag:s4] =	ssyncset.s32 $0xFFFFF086  }
0x25: {  	[simem:s6], [sflag:s4] =	dma.local [hbm:s3], $0xF7A  }
0x26: {  	[smem:$0x3F93] =	sst s1;
	(tag) =	ssettag s2;
	_ =	strace s9  }
0x27: {  	s1 =	sld [smem:$0x3FA3]  }
0x28: {  	s2 =	sld [smem:$0x3FA4]  }
0x29: {  	s4 =	sld [smem:$0x3FA6]  }
0x2a: {  	p0 =	seq.s32 s5, $0x0;
	s5 =	sld [smem:$0x3FA7]  }
0x2b: {  	s6 =	sld [smem:$0x3FA8]  }
0x2c: {  	s7 =	sld [smem:$0x3FA9]  }
0x2d: {  	s3 =	simm.s32 $0x108;
	s8 =	sld [smem:$0x3FAA]  }
0x2e: {  	s3 =	simm.s32 @!p0 $0x1082;
	s9 =	sld [smem:$0x3FAB]  }
0x2f: {  	lr =	sadd.s32 s0, s3;
	s0 =	sld [smem:$0x3FA2]  }
0x30: {  	s3 =	sld [smem:$0x3FA5]  }
0x31: {  	[smem:$0x3FAE] =	sst s10  }
0x32: {  	s10 =	sld [smem:$0x3FAC];
	_ =	sdelay $0x3  }
0x33: {  	p0 =	seq.s32 s10, $0x1;
	s10 =	sld [smem:$0x3FAE];
	_ =	sdelay $0x3  }
0x34: {  	[smem:$0x3FAE] =	sst s10  }
0x35: {  	s10 =	sld [smem:$0x3FAD];
	_ =	sdelay $0x3  }
0x36: {  	p1 =	seq.s32 s10, $0x1;
	s10 =	sld [smem:$0x3FAE];
	_ =	sdelay $0x3  }
0x37: {  	[smem:$0x3FAE] =	sst s10  }
0x38: {  	s10 =	sld [smem:$0x3FAF]  }
0x39: {  	_ = 	snop;
	(pc) =	sbr.ind lr, $3  }
0x3a: {  	_ = 	snop  }
0x3b: {  	_ = 	snop  }
0x3c: {  	p2 =	seq.s32 s10, $0x1;
	s10 =	sld [smem:$0x3FAE]  }
0x3d: {  	_ =	shalt  }
0x3e: {  	_ =	shalt  }
0x3f: {  	_ =	shalt  }
0x40: {  	_ =	shalt  }
0x41: {  	_ =	shalt  }
0x42: {  	_ =	shalt  }
0x43: {  	_ =	shalt  }
0x44: {  	_ =	shalt  }
0x45: {  	_ =	shalt  }
0x46: {  	_ =	shalt  }
0x47: {  	_ =	shalt  }
0x48: {  	_ =	shalt  }
0x49: {  	_ =	shalt  }
0x4a: {  	_ =	shalt  }
0x4b: {  	_ =	shalt  }
0x4c: {  	_ =	shalt  }
0x4d: {  	_ =	shalt  }
0x4e: {  	_ =	shalt  }
0x4f: {  	_ =	shalt  }
0x50: {  	_ =	shalt  }
0x51: {  	_ =	shalt  }
0x52: {  	_ =	shalt  }
0x53: {  	_ =	shalt  }
0x54: {  	_ =	shalt  }
0x55: {  	_ =	shalt  }
0x56: {  	_ =	shalt  }
0x57: {  	_ =	shalt  }
0x58: {  	_ =	shalt  }
0x59: {  	_ =	shalt  }
0x5a: {  	_ =	shalt  }
0x5b: {  	_ =	shalt  }
0x5c: {  	_ =	shalt  }
0x5d: {  	_ =	shalt  }
0x5e: {  	_ =	shalt  }
0x5f: {  	_ =	shalt  }
0x60: {  	_ =	shalt  }
0x61: {  	_ =	shalt  }
0x62: {  	_ =	shalt  }
0x63: {  	_ =	shalt  }
0x64: {  	_ =	shalt  }
0x65: {  	_ =	shalt  }
0x66: {  	_ =	shalt  }
0x67: {  	_ =	shalt  }
0x68: {  	_ =	shalt  }
0x69: {  	_ =	shalt  }
0x6a: {  	_ =	shalt  }
0x6b: {  	_ =	shalt  }
0x6c: {  	_ =	shalt  }
0x6d: {  	_ =	shalt  }
0x6e: {  	_ =	shalt  }
0x6f: {  	_ =	shalt  }
0x70: {  	_ =	shalt  }
0x71: {  	_ =	shalt  }
0x72: {  	_ =	shalt  }
0x73: {  	_ =	shalt  }
0x74: {  	_ =	shalt  }
0x75: {  	_ =	shalt  }
0x76: {  	_ =	shalt  }
0x77: {  	_ =	shalt  }
0x78: {  	_ =	shalt  }
0x79: {  	_ =	shalt  }
0x7a: {  	_ =	shalt  }
0x7b: {  	_ =	shalt  }
0x7c: {  	_ =	shalt  }
0x7d: {  	_ =	shalt  }
0x7e: {  	_ =	shalt  }
0x7f: {  	_ =	shalt  }
0x80: {  	_ =	shalt  }
0x81: {  	_ =	shalt  }
0x82: {  	_ =	shalt  }
0x83: {  	_ =	shalt  }
0x84: {  	_ =	shalt  }
0x85: {  	_ =	shalt  }
0x86: {  	_ =	shalt  }
0x87: {  	_ =	shalt  }
.Lfunc_end0:
.L_simem_size_0:
called_computation.3_lowered:
.L_overlay_start_0:
0x88: {  	s2 =	sld [smem:$0x3FD9]  }
0x89: {  	s3 =	sld [smem:$0x3FFE];
	_ =	sdelay $0x1  }
0x8a: {  	s1 =	srdreg.scid  }
0x8b: {  	s0 =	sand.u32 $0x1, s1  }
0x8c: {  	s17 =	sshll.u32 s0, $0xA;
	s2 =	sadd.s32 s3, s2  }
0x8d: {  	s2 =	sadd.s32 s2, s17  }
0x8e: {  	[smem:$0x3FBA] =	sst s2  }
0x8f: {  	_ = 	snop  }
0x90: {  	(tm) =	ssettm $0x1  }
0x91: {  	s18 =	sld [smem:$0x3FFB];
	_ =	sdelay $0x3  }
0x92: {  	_ =	strace s18  }
0x93: {  	s2 =	sld [smem:$0x3FFC];
	_ =	sdelay $0x3  }
0x94: {  	_ =	strace s2  }
0x95: {  	s2 =	sld [smem:$0x3FFD];
	_ =	sdelay $0x3  }
0x96: {  	_ =	strace s2  }
0x97: {  	_ =	strace $0x8FFFFFFF  }
0x98: {  	s19 =	sld [smem:$0x3FDB];
	_ =	sdelay $0x1  }
0x99: {  	s20 =	simm.s32 $_scs_section_size  }
0x9a: {  	s4 =	simm.s32 $_size__tile_overlayer_lowered;
	s5 =	simm.s32 $_tile_overlayer_lowered  }
0x9b: {  	s6 =	simm.s32 $0x1BFF;
	s21 =	sshll.u32 s5, $0x1;
	s3 =	sadd.s32 s20, s19  }
0x9c: {  	s22 =	simm.s32 $0x0;
	s4 =	sshll.u32 s4, $0x1;
	s5 =	sadd.s32 s21, s3  }
0x9d: {  	[timem:s22], [sflag:s6] =	dma.local [hbm:s5], s4  }
0x9e: {  	_ =	swait.ge [sflag:s6], s4  }
0x9f: {  	s4 =	ssub.s32 $0x0, s4;
	[sflag:s6] =	ssyncset.done $0x0  }
0xa0: {  	[sflag:s6] =	ssyncadd.s32 s4;
	_ =	sdelay $0x1  }
0xa1: {  	s23 =	simm.s32 $0x1B8B  }
0xa2: {  	_ =	swait.ge [sflag:s23], $0x1  }
0xa3: {  	[sflag:s23] =	ssyncset.done $0x0  }
0xa4: {  	[sflag:s23] =	ssyncadd.s32 $0xFFFFFFFF  }
0xa5: {  	s4 =	sld [smem:$0x0]  }
0xa6: {  	s5 =	sand.u32 $0xFFFFFFFE, s1  }
0xa7: {  	p0 =	sne.s32 s1, s5  }
0xa8: {  	s5 =	sshll.u32 @p0 s5, $0xE  }
0xa9: {  	s5 =	sadd.s32 @p0 $0x11B8D, s5;
	s6 =	sshll.u32 @p0 s4, $0x11  }
0xaa: {  	s5 =	sor.u32 @p0 s6, s5  }
0xab: {  	[sflag:s5] =	ssyncadd.remote.s32 @p0 $0x1;
	_ =	sdelay $0x1  }
0xac: {  	s5 =	simm.s32 @p0 $0x1B8D  }
0xad: {  	_ =	swait.eq @p0 [sflag:s5], $0x1  }
0xae: {  	[sflag:s5] =	ssyncadd.s32 @p0 $0xFFFFFFFF  }
0xaf: {  	s6 =	sshll.u32 @!p0 s1, $0xE  }
0xb0: {  	s6 =	sor.u32 @!p0 $0x4000, s6;
	s5 =	simm.s32 @!p0 $0x1B8D  }
0xb1: {  	s4 =	sshll.u32 @!p0 s4, $0x11;
	s6 =	sadd.s32 @!p0 $0x11B8D, s6;
	_ =	swait.eq @!p0 [sflag:s5], $0x1  }
0xb2: {  	s4 =	sor.u32 @!p0 s4, s6;
	[sflag:s5] =	ssyncadd.s32 @!p0 $0xFFFFFFFF  }
0xb3: {  	s25 =	simm.s32 $0x1B8E;
	s24 =	sld [smem:$0x3FFE];
	[sflag:s4] =	ssyncadd.remote.s32 @!p0 $0x1  }
0xb4: {  	s26 =	simm.s32 $execute0_lowered;
	[smem:$0x3FD2] =	sst s25  }
0xb5: {  	s5 =	sshll.u32 s26, $0x1;
	_ =	strace $0x8000004C;
	[dreg:$0x1] =	wrdreg $0xFFFFFFFF  }
0xb6: {  	s28 =	simm.s32 $_size_execute0_lowered;
	s3 =	sadd.s32 s3, s5;
	[dreg:$0x0] =	wrdreg $0x0  }
0xb7: {  	s5 =	sshll.u32 s28, $0x1;
	[dreg:$0x2] =	wrdreg s3  }
0xb8: {  	[dreg:$0x3] =	wrdreg s5  }
0xb9: {  	[dreg:$0x4] =	wrdreg $0xC0  }
0xba: {  	_ =	task [dreg:s22], $0x5FFFF  }
0xbb: {  	[dreg:$0x1] =	wrdreg $0xFFFFFFFF  }
0xbc: {  	[dreg:$0x0] =	wrdreg $0x60  }
0xbd: {  	[dreg:$0x2] =	wrdreg s24  }
0xbe: {  	[dreg:$0x3] =	wrdreg $0x91000  }
0xbf: {  	[dreg:$0x4] =	wrdreg $0xA  }
0xc0: {  	_ =	task.clear_ibuf [dreg:s22], $0x5FFFF;
	_ =	strace $0x9000004C  }
0xc1: {  	s29 =	simm.s32 $0xA;
	_ =	strace $0x8000004E  }
0xc2: {  	_ =	swait.ge [sflag:s29], $0x1  }
0xc3: {  	[sflag:s29] =	ssyncadd.s32 $0xFFFFFFFF  }
0xc4: {  	_ =	strace $0x9000004E  }
0xc5: {  	_ =	sfence  }
0xc6: {  	s30 =	sld [smem:$0x0];
	_ =	sdelay $0x2  }
0xc7: {  	s31 =	sshll.u32 s1, $0xD;
	s1 =	sshrl.u32 s1, $0x2  }
0xc8: {  	s4 =	sand.u32 $0x4000, s31;
	s1 =	sadd.s32 s1, s30  }
0xc9: {  	s0 =	sor.u32 s4, s0;
	s1 =	sshll.u32 s1, $0x11  }
0xca: {  	s0 =	sor.u32 s1, s0  }
0xcb: {  	s0 =	sadd.s32 $0x8F2B, s0  }
0xcc: {  	[sflag:s0] =	ssyncadd.remote.s32 $0x1  }
0xcd: {  	_ =	sfence.sel $0xFFFF  }
0xce: {  	[dreg:$0x0] =	wrdreg $0xFFFFFFFF;
	(pc) =	sbr.abs _section_cstart, $3  }
0xcf: {  	[dreg:$0x1] =	wrdreg $0xFFFFFFFF  }
0xd0: {  	_ =	task.clear_ibuf [dreg:s22], $0x2FFFF;
	_ =	strace $0x9FFFFFFF  }
0xd1: {  	(tm) =	ssettm $0x7FFFFFFF  }
tec
execute0_lowered:
.L_overlay_start_1:
0x0: {  	(tag) =	ssettag $0x1  }
0x1: {  	s0 =	stileid.u32;
	s1 =	srdreg.scid  }
0x2: {  	s5 =	rddreg [dreg:$0x0];
	s4 =	smul.u32 $0x5A000, s0  }
0x3: {  	s2 =	rddreg [dreg:$0x1];
	s3 =	simm.s32 $0x0;
	s7 =	smul.u32 $0x5000, s0  }
0x4: {  	s15 =	simm.s32 $0x1;
	s6 =	sand.u32 $0x1, s1;
	s9 =	smul.u32 $0x16800, s0  }
0x5: {  	s16 =	simm.s32 $0x0;
	s1 =	rddreg [dreg:$0x2];
	s8 =	smul.u32 $0x2800, s6  }
0x6: {  	[smem:$0x7FF] =	sst s3;
	s30 =	sshll.u32 s0, $0x6;
	s24 =	smul.u32 $0x168000, s6  }
0x7: {  	_ =	strace $0x8000004D;
	s28 =	ssub.s32 $0x2, s6;
	s13 =	smul.u32 $0x2D000, s6  }
0x8: {  	s10 =	sadd.s32 s4, s5;
	s26 =	sshrl.u32 s9, $0x3;
	s29 =	sshrl.u32 s28, $0x1  }
0x9: {  	s14 =	sadd.s32 s9, s2;
	s7 =	sadd.s32 s8, s7;
	s25 =	sadd.s32 s9, s24  }
0xa: {  	s8 =	ssub.s32 s28, s29;
	s31 =	sadd.s32 s13, s10;
	s10 =	sshrl.u32 s14, $0x3  }
0xb: {  	s13 =	simm.s32 $0x80;
	s14 =	simm.s32 $0x4900;
	s7 =	sshrl.u32 s7, $0x3  }
0xc: {  	s4 =	sshrl.u32 s25, $0x3;
	s11 =	sadd.s32 s7, s5;
	s7 =	sadd.s32 s26, s5  }
0xd: {  	s12 =	sadd.s32 s4, s5;
	s5 =	sor.u32 $0x1C02, s30;
	s4 =	sadd.s32 $0xA6400, s7  }
0xe: {  	s6 =	sadd.s32 $0xC7C400, s12;
	s7 =	smax.u32 s8, $0x1;
	s8 =	sadd.s32 $0x13C400, s31  }
0xf: {  	s9 =	sadd.s32 $0x9C400, s11;
	s11 =	simm.s32 $0x2;
	s12 =	simm.s32 $0x100  }
.LBB2_1:
0x10: {  	[spmem:s10], [sflag:s5] =	dma.local [hbm:s4], $0x2D00  }
0x11: {  	_ =	swait.ge [sflag:s11], $0x2D00  }
0x12: {  	[sflag:s11] =	ssyncset.done $0x0  }
0x13: {  	[sflag:s11] =	ssyncadd.s32 $0xFFFFD300  }
0x14: {  	s17 =	sadd.s32 $0x0, s9;
	[bflag:$0x0] =	sbarrier.arrive $0xFFFF  }
0x15: {  	[tilespmem:s3], [sflag:$0x2] =	stream.linear.gather [hbm4b:s17+s3], $0x100, $0x38;
	[tilespmem:$0x1F900] =	vst v63  }
0x16: {  	_ =	swait.ge [sflag:s11], $0x100  }
0x17: {  	[sflag:s11] =	ssyncset.done $0x0  }
0x18: {  	[sflag:s11] =	ssyncadd.s32 $0xFFFFFF00  }
0x19: {  	[tilespmem:s12], [sflag:$0x2] =	stream.linear.gather [hbm4b:s8+s3], $0x9000, $0x38;
	[tilespmem:$0x1F900] =	vst v63  }
0x1a: {  	_ =	swait.ge [sflag:s11], $0x9000  }
0x1b: {  	[sflag:s11] =	ssyncset.done $0x0  }
0x1c: {  	[sflag:s11] =	ssyncadd.s32 $0xFFFF7000  }
0x1d: {  	[spmem:s2] =	stream.indirect.scatter.add.f32 [tilespmem:s12], [sflag:$0x1], $0x90, s3, s13, $0xb8;
	[tilespmem:$0x1F900] =	vst v63  }
0x1e: {  	_ = 	snop  }
0x1f: {  	[spmem:s2] =	stream.indirect.scatter.add.f32 [tilespmem:s14], [sflag:$0x1], $0x90, s13, s13, $0xb8;
	[tilespmem:$0x1F900] =	vst v63  }
0x20: {  	_ =	swait.ge [sflag:s15], $0x4800  }
0x21: {  	[sflag:s15] =	ssyncset.done $0x0  }
0x22: {  	[sflag:s15] =	ssyncadd.s32 $0xFFFFB800  }
0x23: {  	s18 =	simm.s32 $0x20;
	_ =	swait.ge [sflag:s15], $0x4800  }
0x24: {  	s19 =	simm.s32 $0x40;
	s17 =	sadd.s32 $0x1200, s8;
	[sflag:s15] =	ssyncset.done $0x0  }
.LBB2_2:
0x25: {  	s20 =	sadd.s32 s18, s9  }
0x26: {  	[sflag:s15] =	ssyncadd.s32 $0xFFFFB800;
	s18 =	smov.u32 s19;
	s21 =	sadd.s32 $0x20, s19  }
0x27: {  	[tilespmem:s3], [sflag:$0x2] =	stream.linear.gather [hbm4b:s20+s3], $0x100, $0x38;
	[tilespmem:$0x1F900] =	vst v63  }
0x28: {  	p0 =	sne.s32 s19, $0x4E0;
	_ =	swait.ge [sflag:s11], $0x100  }
0x29: {  	[sflag:s11] =	ssyncset.done $0x0  }
0x2a: {  	[sflag:s11] =	ssyncadd.s32 $0xFFFFFF00  }
0x2b: {  	[tilespmem:s12], [sflag:$0x2] =	stream.linear.gather [hbm4b:s17+s3], $0x9000, $0x38;
	[tilespmem:$0x1F900] =	vst v63  }
0x2c: {  	_ =	swait.ge [sflag:s11], $0x9000  }
0x2d: {  	[sflag:s11] =	ssyncset.done $0x0  }
0x2e: {  	[sflag:s11] =	ssyncadd.s32 $0xFFFF7000  }
0x2f: {  	[spmem:s2] =	stream.indirect.scatter.add.f32 [tilespmem:s12], [sflag:$0x1], $0x90, s3, s13, $0xb8;
	[tilespmem:$0x1F900] =	vst v63  }
0x30: {  	_ = 	snop  }
0x31: {  	[spmem:s2] =	stream.indirect.scatter.add.f32 [tilespmem:s14], [sflag:$0x1], $0x90, s13, s13, $0xb8;
	[tilespmem:$0x1F900] =	vst v63  }
.Ltmp0:
0x32: {  	_ =	swait.ge [sflag:s15], $0x4800;
	(pc) =	sbr.rel @p0 .LBB2_2-.Ltmp0, $4  }
0x33: {  	[sflag:s15] =	ssyncset.done $0x0  }
0x34: {  	[sflag:s15] =	ssyncadd.s32 $0xFFFFB800  }
0x35: {  	_ =	swait.ge [sflag:s15], $0x4800  }
0x36: {  	s19 =	smov.u32 s21;
	s17 =	sadd.s32 $0x1200, s17;
	[sflag:s15] =	ssyncset.done $0x0  }
0x37: {  	s18 =	sadd.s32 s18, s9;
	[sflag:s15] =	ssyncadd.s32 $0xFFFFB800  }
0x38: {  	[tilespmem:s3], [sflag:$0x2] =	stream.linear.gather [hbm4b:s18+s3], $0x100, $0x38;
	[tilespmem:$0x1F900] =	vst v63  }
0x39: {  	_ =	swait.ge [sflag:s11], $0x100  }
0x3a: {  	[sflag:s11] =	ssyncset.done $0x0  }
0x3b: {  	[sflag:s11] =	ssyncadd.s32 $0xFFFFFF00  }
0x3c: {  	[tilespmem:s12], [sflag:$0x2] =	stream.linear.gather [hbm4b:s17+s3], $0x9000, $0x38;
	[tilespmem:$0x1F900] =	vst v63  }
0x3d: {  	_ =	swait.ge [sflag:s11], $0x9000  }
0x3e: {  	[sflag:s11] =	ssyncset.done $0x0  }
0x3f: {  	[sflag:s11] =	ssyncadd.s32 $0xFFFF7000  }
0x40: {  	[spmem:s2] =	stream.indirect.scatter.add.f32 [tilespmem:s12], [sflag:$0x1], $0x90, s3, s13, $0xb8;
	[tilespmem:$0x1F900] =	vst v63  }
0x41: {  	_ = 	snop  }
0x42: {  	[spmem:s2] =	stream.indirect.scatter.add.f32 [tilespmem:s14], [sflag:$0x1], $0x90, s13, s13, $0xb8;
	[tilespmem:$0x1F900] =	vst v63  }
0x43: {  	_ =	swait.ge [sflag:s15], $0x4800  }
0x44: {  	[sflag:s15] =	ssyncset.done $0x0  }
0x45: {  	[sflag:s15] =	ssyncadd.s32 $0xFFFFB800  }
0x46: {  	_ =	swait.ge [sflag:s15], $0x4800  }
0x47: {  	s16 =	sadd.s32 $0x1, s16;
	[sflag:s15] =	ssyncset.done $0x0  }
0x48: {  	p0 =	sne.s32 s16, s7;
	[sflag:s15] =	ssyncadd.s32 $0xFFFFB800  }
.Ltmp1:
0x49: {  	[bflag:$0x0] =	sbarrier.arrive $0xFFFF;
	(pc) =	sbr.rel @p0 .LBB2_1-.Ltmp1, $4  }
0x4a: {  	[hbm:s6], [sflag:s5] =	dma.local [spmem:s10], $0x2D00  }
0x4b: {  	_ =	swait.ge [sflag:s11], $0x2D00  }
0x4c: {  	[sflag:s11] =	ssyncset.done $0x0  }
0x4d: {  	[sflag:s11] =	ssyncadd.s32 $0xFFFFD300  }
0x4e: {  	_ =	sfence.sel $0x180000  }
0x4f: {  	[bflag:$0x0] =	sbarrier.arrive $0xFFFF  }
0x50: {  	p0 =	sne.s32 s0, $0x0;
	_ =	strace $0x9000004D  }
0x51: {  	s0 =	sadd.s32 @!p0 $0x100000, s1;
	[bflag:$0x2] =	sbarrier.arrive $0xFFFF  }
0x52: {  	[sflag:s0] =	ssyncadd.tile.s32 @!p0 $0x1;
	_ =	shalt  }
.Lfunc_end2:
_tile_overlayer_lowered:
.L_overlay_start_2:
0x53: {  	(tag) =	ssettag $0x2  }
0x54: {  	s0 =	rddreg [dreg:$0x0];
	s2 =	stileid.u32  }
0x55: {  	s1 =	rddreg [dreg:$0x1];
	p0 =	sne.s32 s2, $0x0  }
0x56: {  	s3 =	rddreg [dreg:$0x2];
	[bflag:$0x3] =	sbarrier.arrive $0xFFFF;
	s2 =	simm.s32 @!p0 $0x1C02  }
0x57: {  	[timem:s3], [sflag:s2] =	dma.local @!p0 [hbm:s0], s1  }
0x58: {  	s0 =	simm.s32 @!p0 $0x2  }
0x59: {  	_ =	swait.ge @!p0 [sflag:s0], s1  }
0x5a: {  	s1 =	ssub.s32 @!p0 $0x0, s1;
	[sflag:s0] =	ssyncset.done @!p0 $0x0  }
0x5b: {  	[sflag:s0] =	ssyncadd.s32 @!p0 s1  }
0x5c: {  	[bflag:$0x3] =	sbarrier.arrive $0xFFFF  }
0x5d: {  	_ =	shalt  }

</sc_bundles>
